<compile_context>
chip_gen: v7x
topology: tpu7x:2x2x1
jax: 0.10.2.dev20260603
libtpu: 0.0.44.dev20260713+nightly
codegen_flags: <defaults>
</compile_context>

<pallas_src>
import functools
import math

import jax
import jax.numpy as jnp
from jax import lax
from jax.experimental import pallas as pl
from jax.experimental.pallas import tpu as pltpu
from jax.experimental.pallas import tpu_sc as plsc

N = 10000
E = 320000
D = 128
ALPHA = 0.1
BETA = float(math.log(0.5 / 1 + 1.0))

NPAD = 10240
ROWS_PER_TILE = NPAD // 16
EW = 125
EROWS = E // EW
WORKERS = 32
ROWS_PER_WORKER = EROWS // WORKERS
CH = 8
NCH = ROWS_PER_WORKER // CH

_MESH = plsc.VectorSubcoreMesh(core_axis_name="c", subcore_axis_name="s")



@functools.partial(
    pl.kernel,
    mesh=_MESH,
    out_type=jax.ShapeDtypeStruct((2, NPAD, D), jnp.float32),
    scratch_types=[
        pltpu.VMEM((ROWS_PER_WORKER, EW), jnp.int32),
        pltpu.VMEM((EW, D), jnp.float32),
        pltpu.VMEM_SHARED((NPAD, D), jnp.float32),
        pltpu.SemaphoreType.DMA,
    ],
)
def _deg_call(ei3, ones_hbm, zeros_hbm, out, dstbuf, onesbuf, acc, dsem):
    c = lax.axis_index("c")
    s = lax.axis_index("s")
    wid = c * 16 + s
    r0 = s * ROWS_PER_TILE
    pltpu.sync_copy(zeros_hbm.at[pl.ds(r0, ROWS_PER_TILE)],
                    acc.at[pl.ds(r0, ROWS_PER_TILE)])
    pltpu.sync_copy(ones_hbm, onesbuf)
    erow0 = wid * ROWS_PER_WORKER
    pltpu.sync_copy(ei3.at[1, pl.ds(erow0, ROWS_PER_WORKER)], dstbuf)
    plsc.subcore_barrier()

    def body(ch, carry):
        hs_ = [pltpu.async_copy(onesbuf, acc.at[dstbuf.at[ch * CH + j]],
                                dsem, add=True)
               for j in range(CH)]
        for h_ in hs_:
            h_.wait()
        return carry

    lax.fori_loop(0, NCH, body, 0)
    plsc.subcore_barrier()
    pltpu.sync_copy(acc.at[pl.ds(r0, ROWS_PER_TILE)],
                    out.at[c, pl.ds(r0, ROWS_PER_TILE)])



@functools.partial(
    pl.kernel,
    mesh=_MESH,
    out_type=jax.ShapeDtypeStruct((2, NPAD, D), jnp.float32),
    scratch_types=[
        pltpu.VMEM((CH, EW), jnp.int32),
        pltpu.VMEM((CH, EW), jnp.int32),
        pltpu.VMEM((EW, D), jnp.float32),
        pltpu.VMEM((EW, D), jnp.float32),
        pltpu.VMEM_SHARED((NPAD, D), jnp.float32),
        pltpu.SemaphoreType.DMA,
        pltpu.SemaphoreType.DMA,
        pltpu.SemaphoreType.DMA,
        pltpu.SemaphoreType.DMA,
    ],
)
def _agg_call(ei3, hs_hbm, zeros_hbm, out,
              srcbuf, dstbuf, rowbuf0, rowbuf1, acc, gs0, gs1, ss0, ss1):
    c = lax.axis_index("c")
    s = lax.axis_index("s")
    wid = c * 16 + s
    r0 = s * ROWS_PER_TILE
    pltpu.sync_copy(zeros_hbm.at[pl.ds(r0, ROWS_PER_TILE)],
                    acc.at[pl.ds(r0, ROWS_PER_TILE)])
    plsc.subcore_barrier()
    erow0 = wid * ROWS_PER_WORKER
    bufs = (rowbuf0, rowbuf1)
    gsems = (gs0, gs1)
    ssems = (ss0, ss1)

    def body(ch, carry):
        base = erow0 + ch * CH
        pltpu.sync_copy(ei3.at[0, pl.ds(base, CH)], srcbuf)
        pltpu.sync_copy(ei3.at[1, pl.ds(base, CH)], dstbuf)
        gh = [None, None]
        sh = [None, None]
        gh[0] = pltpu.async_copy(hs_hbm.at[srcbuf.at[0]], bufs[0], gsems[0])
        for j in range(CH):
            b = j % 2
            gh[b].wait()
            if j + 1 < CH:
                nb = (j + 1) % 2
                if sh[nb] is not None:
                    sh[nb].wait()
                gh[nb] = pltpu.async_copy(
                    hs_hbm.at[srcbuf.at[j + 1]], bufs[nb], gsems[nb])
            sh[b] = pltpu.async_copy(
                bufs[b], acc.at[dstbuf.at[j]], ssems[b], add=True)
        sh[0].wait()
        sh[1].wait()
        return carry

    lax.fori_loop(0, NCH, body, 0)
    plsc.subcore_barrier()
    pltpu.sync_copy(acc.at[pl.ds(r0, ROWS_PER_TILE)],
                    out.at[c, pl.ds(r0, ROWS_PER_TILE)])



BN_ROWS = 2000


def _pre_body(s1_ref, w_ref, g_ref, b_ref, m_ref, v_ref, h_ref):
    h = jnp.dot(s1_ref[...], w_ref[...], preferred_element_type=jnp.float32)
    h = (h - m_ref[...]) * (g_ref[...] * lax.rsqrt(v_ref[...] + 1e-5)) + b_ref[...]
    h_ref[...] = jnp.maximum(h, 0.0)


def _scale_body(h_ref, dp_ref, hs_ref, dinv_ref):
    deg = dp_ref[0, :, 0] + dp_ref[1, :, 0] + 1.0
    dinv = lax.rsqrt(jnp.maximum(deg, 1.0))
    hs_ref[...] = h_ref[...] * dinv[:, None]
    dinv_ref[...] = dinv[:, None]


def _out_body(acc_ref, hs_ref, x0_ref, dinv_ref, wg_ref, o_ref):
    dinv = dinv_ref[...]
    accsum = acc_ref[0] + acc_ref[1] + hs_ref[...]
    support = (1.0 - ALPHA) * (accsum * dinv) + ALPHA * x0_ref[...]
    o_ref[...] = jnp.maximum(
        (1.0 - BETA) * support
        + BETA * jnp.dot(support, wg_ref[...], preferred_element_type=jnp.float32),
        0.0,
    )


def _pre_call(s1, W_pre, bn_gamma, bn_beta, bn_mean, bn_var):
    grid = (N // BN_ROWS,)
    vec = pl.BlockSpec((1, D), lambda i: (0, 0))
    return pl.pallas_call(
        _pre_body,
        grid=grid,
        in_specs=[
            pl.BlockSpec((BN_ROWS, D), lambda i: (i, 0)),
            pl.BlockSpec((D, D), lambda i: (0, 0)),
            vec, vec, vec, vec,
        ],
        out_specs=pl.BlockSpec((BN_ROWS, D), lambda i: (i, 0)),
        out_shape=jax.ShapeDtypeStruct((N, D), jnp.float32),
    )(s1, W_pre, bn_gamma.reshape(1, D), bn_beta.reshape(1, D),
      bn_mean.reshape(1, D), bn_var.reshape(1, D))


def _scale_call(h, degparts):
    grid = (N // BN_ROWS,)
    return pl.pallas_call(
        _scale_body,
        grid=grid,
        in_specs=[
            pl.BlockSpec((BN_ROWS, D), lambda i: (i, 0)),
            pl.BlockSpec((2, BN_ROWS, D), lambda i: (0, i, 0)),
        ],
        out_specs=[pl.BlockSpec((BN_ROWS, D), lambda i: (i, 0)),
                   pl.BlockSpec((BN_ROWS, 1), lambda i: (i, 0))],
        out_shape=[jax.ShapeDtypeStruct((N, D), jnp.float32),
                   jax.ShapeDtypeStruct((N, 1), jnp.float32)],
    )(h, degparts)


def _out_call(accparts, hs, x_0, dinv, W_gin):
    grid = (N // BN_ROWS,)
    return pl.pallas_call(
        _out_body,
        grid=grid,
        in_specs=[
            pl.BlockSpec((2, BN_ROWS, D), lambda i: (0, i, 0)),
            pl.BlockSpec((BN_ROWS, D), lambda i: (i, 0)),
            pl.BlockSpec((BN_ROWS, D), lambda i: (i, 0)),
            pl.BlockSpec((BN_ROWS, 1), lambda i: (i, 0)),
            pl.BlockSpec((D, D), lambda i: (0, 0)),
        ],
        out_specs=pl.BlockSpec((BN_ROWS, D), lambda i: (i, 0)),
        out_shape=jax.ShapeDtypeStruct((N, D), jnp.float32),
    )(accparts, hs, x_0, dinv, W_gin)



def kernel(s0, s1, edge_index, drop_prob, x_0, training,
           W_pre, bn_gamma, bn_beta, bn_mean, bn_var, W_gin):
    ei3 = edge_index.astype(jnp.int32).reshape(2, EROWS, EW)
    ones_ew = jnp.ones((EW, D), jnp.float32)
    zeros_acc = jnp.zeros((NPAD, D), jnp.float32)

    degparts = _deg_call(ei3, ones_ew, zeros_acc)
    h = _pre_call(s1, W_pre, bn_gamma, bn_beta, bn_mean, bn_var)
    hs, dinv = _scale_call(h, degparts)
    accparts = _agg_call(ei3, hs, zeros_acc)
    return _out_call(accparts, hs, x_0, dinv, W_gin)

# --- scband reference (transcript-rebuilt; emitter-appended) ---
"""Pipeline reference for scband-cell-35150012350525 (READ-ONLY COPY).

The authoritative reference and input builder live on the scoring server;
editing this copy changes nothing except your own understanding.
"""

import jax, jax.numpy as jnp
import numpy as np

N = 10000
E = 320000
D_IN = 128
D_H = 128  # C * 4 with C=32
ALPHA = 0.1
THETA = 0.5
LAYER = 1


def setup_inputs(seed: int = 0) -> dict:
    key = jax.random.key(seed)
    ks = jax.random.split(key, 8)
    s0 = jax.random.normal(ks[0], (N, D_IN), dtype=jnp.float32)
    s1 = jax.random.normal(ks[1], (N, D_IN), dtype=jnp.float32)
    edge_index = jax.random.randint(ks[2], (2, E), 0, N)
    x_0 = jax.random.normal(ks[3], (N, D_H), dtype=jnp.float32)
    # preprocess MLP: Linear(C_prev -> C*4, bias=False) + BatchNorm + ReLU
    W_pre = jax.random.normal(ks[4], (D_IN, D_H), dtype=jnp.float32) * 0.05
    bn_gamma = jnp.ones((D_H,), dtype=jnp.float32)
    bn_beta = jnp.zeros((D_H,), dtype=jnp.float32)
    bn_mean = jnp.zeros((D_H,), dtype=jnp.float32)
    bn_var = jnp.ones((D_H,), dtype=jnp.float32)
    # GCNII-style op weight
    W_gin = jax.random.normal(ks[5], (D_H, D_H), dtype=jnp.float32) * 0.05
    return {
        "s0": s0,
        "s1": s1,
        "edge_index": edge_index,
        "drop_prob": 0,
        "x_0": x_0,
        "training": False,
        "W_pre": W_pre,
        "bn_gamma": bn_gamma,
        "bn_beta": bn_beta,
        "bn_mean": bn_mean,
        "bn_var": bn_var,
        "W_gin": W_gin,
    }


def reference(s0, s1, edge_index, drop_prob, x_0, training, W_pre, bn_gamma, bn_beta, bn_mean, bn_var, W_gin):
    # preprocess1: MLP([C_prev, C*4], relu, batchnorm, bias=False); eval-mode BN (training=False)
    h = s1 @ W_pre
    h = (h - bn_mean) / jnp.sqrt(bn_var + 1e-5) * bn_gamma + bn_beta
    h = jax.nn.relu(h)
    # ginii op (GCNII-style): sym-normalized propagation with self-loops,
    # initial-residual with x_0, identity mapping with W_gin
    src = edge_index[0]
    dst = edge_index[1]
    loop = jnp.arange(N, dtype=src.dtype)
    src = jnp.concatenate([src, loop])
    dst = jnp.concatenate([dst, loop])
    deg = jax.ops.segment_sum(jnp.ones(src.shape, dtype=jnp.float32), dst, num_segments=N)
    dinv = jax.lax.rsqrt(jnp.maximum(deg, 1.0))
    w = dinv[src] * dinv[dst]
    agg = jax.ops.segment_sum(h[src] * w[:, None], dst, num_segments=N)
    beta = float(np.log(THETA / LAYER + 1.0))
    support = (1.0 - ALPHA) * agg + ALPHA * x_0
    out = (1.0 - beta) * support + beta * (support @ W_gin)
    return jax.nn.relu(out)

if __name__ == "__main__":
    import jax
    _d = setup_inputs()
    print(jax.jit(kernel)(*tuple(_d.values())))

</pallas_src>

<mosaic_0001>
#map = affine_map<(d0, d1) -> (0, 0, 0)>
#map1 = affine_map<(d0, d1) -> (0, 0)>
module attributes {stable_mosaic.version = 14 : i64} {
  func.func @_agg_call(%arg0: i32, %arg1: i32, %arg2: memref<2x2560x125xi32, #tpu.memory_space<hbm>>, %arg3: memref<10000x128xf32, #tpu.memory_space<hbm>>, %arg4: memref<10240x128xf32, #tpu.memory_space<hbm>>, %arg5: memref<2x10240x128xf32, #tpu.memory_space<hbm>>, %arg6: memref<8x125xi32, #tpu.memory_space<vmem>>, %arg7: memref<8x125xi32, #tpu.memory_space<vmem>>, %arg8: memref<125x128xf32, #tpu.memory_space<vmem>>, %arg9: memref<125x128xf32, #tpu.memory_space<vmem>>, %arg10: memref<10240x128xf32, #tpu.memory_space<vmem_shared>>, %arg11: memref<!tpu.dma_semaphore, #tpu.memory_space<semaphore_mem>>, %arg12: memref<!tpu.dma_semaphore, #tpu.memory_space<semaphore_mem>>, %arg13: memref<!tpu.dma_semaphore, #tpu.memory_space<semaphore_mem>>, %arg14: memref<!tpu.dma_semaphore, #tpu.memory_space<semaphore_mem>>) attributes {dimension_semantics = [#tpu.dimension_semantics<core_parallel>, #tpu.dimension_semantics<subcore_parallel>], iteration_bounds = array<i64: 2, 16>, scalar_prefetch = 0 : i64, scratch_operands = 9 : i64, tpu.core_type = #tpu.core_type<sc_vector_subcore>, window_params = [{transform_indices = #map}, {transform_indices = #map1}, {transform_indices = #map1}, {transform_indices = #map}]} {
    %mul3A = arith.constant 16 : i32
    %mul3A_0 = arith.muli %arg0, %mul3A : i32
    %add3A = arith.addi %mul3A_0, %arg1 : i32
    %mul3A_1 = arith.constant 640 : i32
    %mul3A_2 = arith.muli %arg1, %mul3A_1 : i32
    "tpu.region"() ({
      %run_scoped3A = tpu.sem_alloc : memref<!tpu.dma_semaphore, #tpu.memory_space<semaphore_mem>>
      %dma_start3A = arith.constant 0 : i32
      %dma_start3A_11 = tpu.memref_slice %arg10[%mul3A_2, %dma_start3A] : memref<10240x128xf32, #tpu.memory_space<vmem_shared>> -> memref<640x128xf32, #tpu.memory_space<vmem_shared>>
      %dma_start3A_12 = arith.constant 0 : i32
      %dma_start3A_13 = tpu.memref_slice %arg4[%mul3A_2, %dma_start3A_12] : memref<10240x128xf32, #tpu.memory_space<hbm>> -> memref<640x128xf32, #tpu.memory_space<hbm>>
      tpu.enqueue_dma source(%dma_start3A_13 : memref<640x128xf32, #tpu.memory_space<hbm>>) target(%dma_start3A_11 : memref<640x128xf32, #tpu.memory_space<vmem_shared>>) target_semaphore(%run_scoped3A : memref<!tpu.dma_semaphore, #tpu.memory_space<semaphore_mem>>)
      %dma_wait3A = arith.constant 0 : i32
      %dma_wait3A_14 = tpu.memref_slice %arg10[%mul3A_2, %dma_wait3A] : memref<10240x128xf32, #tpu.memory_space<vmem_shared>> -> memref<640x128xf32, #tpu.memory_space<vmem_shared>>
      %dma_wait3A_15 = arith.constant 0 : i32
      %dma_wait3A_16 = tpu.memref_slice %arg4[%mul3A_2, %dma_wait3A_15] : memref<10240x128xf32, #tpu.memory_space<hbm>> -> memref<640x128xf32, #tpu.memory_space<hbm>>
      tpu.wait_dma2 semaphore(%run_scoped3A : memref<!tpu.dma_semaphore, #tpu.memory_space<semaphore_mem>>) src(%dma_wait3A_16 : memref<640x128xf32, #tpu.memory_space<hbm>>) dst(%dma_wait3A_14 : memref<640x128xf32, #tpu.memory_space<vmem_shared>>)
      tpu.yield
    }) : () -> ()
    %barrier3A = arith.constant 0 : index
    tpu.barrier barrier_id(%barrier3A)
    %mul3A_3 = arith.constant 80 : i32
    %mul3A_4 = arith.muli %add3A, %mul3A_3 : i32
    %scan3A = arith.constant 0 : i32
    %scan3A_5 = arith.constant 0 : i32
    %scan3A_6 = arith.constant 10 : i32
    %scan3A_7 = arith.addi %scan3A_5, %scan3A_6 : i32
    %scan3A_8 = arith.constant 1 : i32
    scf.for %scan3A_11 = %scan3A_5 to %scan3A_7 step %scan3A_8  : i32 {
      %mul3A_12 = arith.constant 8 : i32
      %mul3A_13 = arith.muli %scan3A_11, %mul3A_12 : i32
      %add3A_14 = arith.addi %mul3A_4, %mul3A_13 : i32
      %run_scoped3A = arith.constant 0 : i32
      "tpu.region"() ({
        %run_scoped3A_238 = tpu.sem_alloc : memref<!tpu.dma_semaphore, #tpu.memory_space<semaphore_mem>>
        %dma_start3A_239 = arith.constant 0 : i32
        %dma_start3A_240 = tpu.memref_slice %arg2[%run_scoped3A, %add3A_14, %dma_start3A_239] : memref<2x2560x125xi32, #tpu.memory_space<hbm>> -> memref<1x8x125xi32, #tpu.memory_space<hbm>>
        %dma_start3A_241 = tpu.memref_squeeze %dma_start3A_240 : memref<1x8x125xi32, #tpu.memory_space<hbm>> -> memref<8x125xi32, #tpu.memory_space<hbm>>
        %dma_start3A_242 = arith.constant 0 : i32
        %dma_start3A_243 = tpu.memref_slice %arg2[%run_scoped3A, %add3A_14, %dma_start3A_242] : memref<2x2560x125xi32, #tpu.memory_space<hbm>> -> memref<1x8x125xi32, #tpu.memory_space<hbm>>
        %dma_start3A_244 = tpu.memref_squeeze %dma_start3A_243 : memref<1x8x125xi32, #tpu.memory_space<hbm>> -> memref<8x125xi32, #tpu.memory_space<hbm>>
        tpu.enqueue_dma source(%dma_start3A_244 : memref<8x125xi32, #tpu.memory_space<hbm>>) target(%arg6 : memref<8x125xi32, #tpu.memory_space<vmem>>) target_semaphore(%run_scoped3A_238 : memref<!tpu.dma_semaphore, #tpu.memory_space<semaphore_mem>>)
        %dma_wait3A_245 = arith.constant 0 : i32
        %dma_wait3A_246 = tpu.memref_slice %arg2[%run_scoped3A, %add3A_14, %dma_wait3A_245] : memref<2x2560x125xi32, #tpu.memory_space<hbm>> -> memref<1x8x125xi32, #tpu.memory_space<hbm>>
        %dma_wait3A_247 = tpu.memref_squeeze %dma_wait3A_246 : memref<1x8x125xi32, #tpu.memory_space<hbm>> -> memref<8x125xi32, #tpu.memory_space<hbm>>
        %dma_wait3A_248 = arith.constant 0 : i32
        %dma_wait3A_249 = tpu.memref_slice %arg2[%run_scoped3A, %add3A_14, %dma_wait3A_248] : memref<2x2560x125xi32, #tpu.memory_space<hbm>> -> memref<1x8x125xi32, #tpu.memory_space<hbm>>
        %dma_wait3A_250 = tpu.memref_squeeze %dma_wait3A_249 : memref<1x8x125xi32, #tpu.memory_space<hbm>> -> memref<8x125xi32, #tpu.memory_space<hbm>>
        tpu.wait_dma2 semaphore(%run_scoped3A_238 : memref<!tpu.dma_semaphore, #tpu.memory_space<semaphore_mem>>) src(%dma_wait3A_250 : memref<8x125xi32, #tpu.memory_space<hbm>>) dst(%arg6 : memref<8x125xi32, #tpu.memory_space<vmem>>)
        tpu.yield
      }) : () -> ()
      %run_scoped3A_15 = arith.constant 1 : i32
      "tpu.region"() ({
        %run_scoped3A_238 = tpu.sem_alloc : memref<!tpu.dma_semaphore, #tpu.memory_space<semaphore_mem>>
        %dma_start3A_239 = arith.constant 0 : i32
        %dma_start3A_240 = tpu.memref_slice %arg2[%run_scoped3A_15, %add3A_14, %dma_start3A_239] : memref<2x2560x125xi32, #tpu.memory_space<hbm>> -> memref<1x8x125xi32, #tpu.memory_space<hbm>>
        %dma_start3A_241 = tpu.memref_squeeze %dma_start3A_240 : memref<1x8x125xi32, #tpu.memory_space<hbm>> -> memref<8x125xi32, #tpu.memory_space<hbm>>
        %dma_start3A_242 = arith.constant 0 : i32
        %dma_start3A_243 = tpu.memref_slice %arg2[%run_scoped3A_15, %add3A_14, %dma_start3A_242] : memref<2x2560x125xi32, #tpu.memory_space<hbm>> -> memref<1x8x125xi32, #tpu.memory_space<hbm>>
        %dma_start3A_244 = tpu.memref_squeeze %dma_start3A_243 : memref<1x8x125xi32, #tpu.memory_space<hbm>> -> memref<8x125xi32, #tpu.memory_space<hbm>>
        tpu.enqueue_dma source(%dma_start3A_244 : memref<8x125xi32, #tpu.memory_space<hbm>>) target(%arg7 : memref<8x125xi32, #tpu.memory_space<vmem>>) target_semaphore(%run_scoped3A_238 : memref<!tpu.dma_semaphore, #tpu.memory_space<semaphore_mem>>)
        %dma_wait3A_245 = arith.constant 0 : i32
        %dma_wait3A_246 = tpu.memref_slice %arg2[%run_scoped3A_15, %add3A_14, %dma_wait3A_245] : memref<2x2560x125xi32, #tpu.memory_space<hbm>> -> memref<1x8x125xi32, #tpu.memory_space<hbm>>
        %dma_wait3A_247 = tpu.memref_squeeze %dma_wait3A_246 : memref<1x8x125xi32, #tpu.memory_space<hbm>> -> memref<8x125xi32, #tpu.memory_space<hbm>>
        %dma_wait3A_248 = arith.constant 0 : i32
        %dma_wait3A_249 = tpu.memref_slice %arg2[%run_scoped3A_15, %add3A_14, %dma_wait3A_248] : memref<2x2560x125xi32, #tpu.memory_space<hbm>> -> memref<1x8x125xi32, #tpu.memory_space<hbm>>
        %dma_wait3A_250 = tpu.memref_squeeze %dma_wait3A_249 : memref<1x8x125xi32, #tpu.memory_space<hbm>> -> memref<8x125xi32, #tpu.memory_space<hbm>>
        tpu.wait_dma2 semaphore(%run_scoped3A_238 : memref<!tpu.dma_semaphore, #tpu.memory_space<semaphore_mem>>) src(%dma_wait3A_250 : memref<8x125xi32, #tpu.memory_space<hbm>>) dst(%arg7 : memref<8x125xi32, #tpu.memory_space<vmem>>)
        tpu.yield
      }) : () -> ()
      %dma_start3A = arith.constant 0 : i32
      %dma_start3A_16 = arith.constant 0 : i32
      %dma_start3A_17 = tpu.memref_slice %arg6[%dma_start3A, %dma_start3A_16] : memref<8x125xi32, #tpu.memory_space<vmem>> -> memref<1x125xi32, #tpu.memory_space<vmem>>
      %dma_start3A_18 = tpu.memref_squeeze %dma_start3A_17 : memref<1x125xi32, #tpu.memory_space<vmem>> -> memref<125xi32, #tpu.memory_space<vmem>>
      %dma_start3A_19 = arith.constant 0 : i32
      %dma_start3A_20 = arith.constant 0 : i32
      %dma_start3A_21 = tpu.memref_slice %arg3[%dma_start3A_19, %dma_start3A_20] : memref<10000x128xf32, #tpu.memory_space<hbm>> -> memref<10000x128xf32, #tpu.memory_space<hbm>>
      tpu.enqueue_indirect_dma source(%dma_start3A_21 : memref<10000x128xf32, #tpu.memory_space<hbm>>) target(%arg8 : memref<125x128xf32, #tpu.memory_space<vmem>>) offsets(%dma_start3A_18 : memref<125xi32, #tpu.memory_space<vmem>>) semaphore(%arg11 : memref<!tpu.dma_semaphore, #tpu.memory_space<semaphore_mem>>)
      %dma_wait3A = arith.constant 0 : i32
      %dma_wait3A_22 = arith.constant 0 : i32
      %dma_wait3A_23 = tpu.memref_slice %arg6[%dma_wait3A, %dma_wait3A_22] : memref<8x125xi32, #tpu.memory_space<vmem>> -> memref<1x125xi32, #tpu.memory_space<vmem>>
      %dma_wait3A_24 = tpu.memref_squeeze %dma_wait3A_23 : memref<1x125xi32, #tpu.memory_space<vmem>> -> memref<125xi32, #tpu.memory_space<vmem>>
      %dma_wait3A_25 = arith.constant 0 : i32
      %dma_wait3A_26 = arith.constant 0 : i32
      %dma_wait3A_27 = tpu.memref_slice %arg3[%dma_wait3A_25, %dma_wait3A_26] : memref<10000x128xf32, #tpu.memory_space<hbm>> -> memref<10000x128xf32, #tpu.memory_space<hbm>>
      tpu.wait_indirect_dma semaphore(%arg11 : memref<!tpu.dma_semaphore, #tpu.memory_space<semaphore_mem>>) src(%dma_wait3A_27 : memref<10000x128xf32, #tpu.memory_space<hbm>>) dst(%arg8 : memref<125x128xf32, #tpu.memory_space<vmem>>)
      %dma_start3A_28 = arith.constant 1 : i32
      %dma_start3A_29 = arith.constant 0 : i32
      %dma_start3A_30 = tpu.memref_slice %arg6[%dma_start3A_28, %dma_start3A_29] : memref<8x125xi32, #tpu.memory_space<vmem>> -> memref<1x125xi32, #tpu.memory_space<vmem>>
      %dma_start3A_31 = tpu.memref_squeeze %dma_start3A_30 : memref<1x125xi32, #tpu.memory_space<vmem>> -> memref<125xi32, #tpu.memory_space<vmem>>
      %dma_start3A_32 = arith.constant 0 : i32
      %dma_start3A_33 = arith.constant 0 : i32
      %dma_start3A_34 = tpu.memref_slice %arg3[%dma_start3A_32, %dma_start3A_33] : memref<10000x128xf32, #tpu.memory_space<hbm>> -> memref<10000x128xf32, #tpu.memory_space<hbm>>
      tpu.enqueue_indirect_dma source(%dma_start3A_34 : memref<10000x128xf32, #tpu.memory_space<hbm>>) target(%arg9 : memref<125x128xf32, #tpu.memory_space<vmem>>) offsets(%dma_start3A_31 : memref<125xi32, #tpu.memory_space<vmem>>) semaphore(%arg12 : memref<!tpu.dma_semaphore, #tpu.memory_space<semaphore_mem>>)
      %dma_start3A_35 = arith.constant 0 : i32
      %dma_start3A_36 = arith.constant 0 : i32
      %dma_start3A_37 = tpu.memref_slice %arg7[%dma_start3A_35, %dma_start3A_36] : memref<8x125xi32, #tpu.memory_space<vmem>> -> memref<1x125xi32, #tpu.memory_space<vmem>>
      %dma_start3A_38 = tpu.memref_squeeze %dma_start3A_37 : memref<1x125xi32, #tpu.memory_space<vmem>> -> memref<125xi32, #tpu.memory_space<vmem>>
      %dma_start3A_39 = arith.constant 0 : i32
      %dma_start3A_40 = arith.constant 0 : i32
      %dma_start3A_41 = tpu.memref_slice %arg10[%dma_start3A_39, %dma_start3A_40] : memref<10240x128xf32, #tpu.memory_space<vmem_shared>> -> memref<10240x128xf32, #tpu.memory_space<vmem_shared>>
      tpu.enqueue_indirect_dma source(%arg8 : memref<125x128xf32, #tpu.memory_space<vmem>>) target(%dma_start3A_41 : memref<10240x128xf32, #tpu.memory_space<vmem_shared>>) offsets(%dma_start3A_38 : memref<125xi32, #tpu.memory_space<vmem>>) semaphore(%arg13 : memref<!tpu.dma_semaphore, #tpu.memory_space<semaphore_mem>>) {add = true}
      %dma_wait3A_42 = arith.constant 1 : i32
      %dma_wait3A_43 = arith.constant 0 : i32
      %dma_wait3A_44 = tpu.memref_slice %arg6[%dma_wait3A_42, %dma_wait3A_43] : memref<8x125xi32, #tpu.memory_space<vmem>> -> memref<1x125xi32, #tpu.memory_space<vmem>>
      %dma_wait3A_45 = tpu.memref_squeeze %dma_wait3A_44 : memref<1x125xi32, #tpu.memory_space<vmem>> -> memref<125xi32, #tpu.memory_space<vmem>>
      %dma_wait3A_46 = arith.constant 0 : i32
      %dma_wait3A_47 = arith.constant 0 : i32
      %dma_wait3A_48 = tpu.memref_slice %arg3[%dma_wait3A_46, %dma_wait3A_47] : memref<10000x128xf32, #tpu.memory_space<hbm>> -> memref<10000x128xf32, #tpu.memory_space<hbm>>
      tpu.wait_indirect_dma semaphore(%arg12 : memref<!tpu.dma_semaphore, #tpu.memory_space<semaphore_mem>>) src(%dma_wait3A_48 : memref<10000x128xf32, #tpu.memory_space<hbm>>) dst(%arg9 : memref<125x128xf32, #tpu.memory_space<vmem>>)
      %dma_wait3A_49 = arith.constant 0 : i32
      %dma_wait3A_50 = arith.constant 0 : i32
      %dma_wait3A_51 = tpu.memref_slice %arg7[%dma_wait3A_49, %dma_wait3A_50] : memref<8x125xi32, #tpu.memory_space<vmem>> -> memref<1x125xi32, #tpu.memory_space<vmem>>
      %dma_wait3A_52 = tpu.memref_squeeze %dma_wait3A_51 : memref<1x125xi32, #tpu.memory_space<vmem>> -> memref<125xi32, #tpu.memory_space<vmem>>
      %dma_wait3A_53 = arith.constant 0 : i32
      %dma_wait3A_54 = arith.constant 0 : i32
      %dma_wait3A_55 = tpu.memref_slice %arg10[%dma_wait3A_53, %dma_wait3A_54] : memref<10240x128xf32, #tpu.memory_space<vmem_shared>> -> memref<10240x128xf32, #tpu.memory_space<vmem_shared>>
      tpu.wait_indirect_dma semaphore(%arg13 : memref<!tpu.dma_semaphore, #tpu.memory_space<semaphore_mem>>) src(%arg8 : memref<125x128xf32, #tpu.memory_space<vmem>>) dst(%dma_wait3A_55 : memref<10240x128xf32, #tpu.memory_space<vmem_shared>>)
      %dma_start3A_56 = arith.constant 2 : i32
      %dma_start3A_57 = arith.constant 0 : i32
      %dma_start3A_58 = tpu.memref_slice %arg6[%dma_start3A_56, %dma_start3A_57] : memref<8x125xi32, #tpu.memory_space<vmem>> -> memref<1x125xi32, #tpu.memory_space<vmem>>
      %dma_start3A_59 = tpu.memref_squeeze %dma_start3A_58 : memref<1x125xi32, #tpu.memory_space<vmem>> -> memref<125xi32, #tpu.memory_space<vmem>>
      %dma_start3A_60 = arith.constant 0 : i32
      %dma_start3A_61 = arith.constant 0 : i32
      %dma_start3A_62 = tpu.memref_slice %arg3[%dma_start3A_60, %dma_start3A_61] : memref<10000x128xf32, #tpu.memory_space<hbm>> -> memref<10000x128xf32, #tpu.memory_space<hbm>>
      tpu.enqueue_indirect_dma source(%dma_start3A_62 : memref<10000x128xf32, #tpu.memory_space<hbm>>) target(%arg8 : memref<125x128xf32, #tpu.memory_space<vmem>>) offsets(%dma_start3A_59 : memref<125xi32, #tpu.memory_space<vmem>>) semaphore(%arg11 : memref<!tpu.dma_semaphore, #tpu.memory_space<semaphore_mem>>)
      %dma_start3A_63 = arith.constant 1 : i32
      %dma_start3A_64 = arith.constant 0 : i32
      %dma_start3A_65 = tpu.memref_slice %arg7[%dma_start3A_63, %dma_start3A_64] : memref<8x125xi32, #tpu.memory_space<vmem>> -> memref<1x125xi32, #tpu.memory_space<vmem>>
      %dma_start3A_66 = tpu.memref_squeeze %dma_start3A_65 : memref<1x125xi32, #tpu.memory_space<vmem>> -> memref<125xi32, #tpu.memory_space<vmem>>
      %dma_start3A_67 = arith.constant 0 : i32
      %dma_start3A_68 = arith.constant 0 : i32
      %dma_start3A_69 = tpu.memref_slice %arg10[%dma_start3A_67, %dma_start3A_68] : memref<10240x128xf32, #tpu.memory_space<vmem_shared>> -> memref<10240x128xf32, #tpu.memory_space<vmem_shared>>
      tpu.enqueue_indirect_dma source(%arg9 : memref<125x128xf32, #tpu.memory_space<vmem>>) target(%dma_start3A_69 : memref<10240x128xf32, #tpu.memory_space<vmem_shared>>) offsets(%dma_start3A_66 : memref<125xi32, #tpu.memory_space<vmem>>) semaphore(%arg14 : memref<!tpu.dma_semaphore, #tpu.memory_space<semaphore_mem>>) {add = true}
      %dma_wait3A_70 = arith.constant 2 : i32
      %dma_wait3A_71 = arith.constant 0 : i32
      %dma_wait3A_72 = tpu.memref_slice %arg6[%dma_wait3A_70, %dma_wait3A_71] : memref<8x125xi32, #tpu.memory_space<vmem>> -> memref<1x125xi32, #tpu.memory_space<vmem>>
      %dma_wait3A_73 = tpu.memref_squeeze %dma_wait3A_72 : memref<1x125xi32, #tpu.memory_space<vmem>> -> memref<125xi32, #tpu.memory_space<vmem>>
      %dma_wait3A_74 = arith.constant 0 : i32
      %dma_wait3A_75 = arith.constant 0 : i32
      %dma_wait3A_76 = tpu.memref_slice %arg3[%dma_wait3A_74, %dma_wait3A_75] : memref<10000x128xf32, #tpu.memory_space<hbm>> -> memref<10000x128xf32, #tpu.memory_space<hbm>>
      tpu.wait_indirect_dma semaphore(%arg11 : memref<!tpu.dma_semaphore, #tpu.memory_space<semaphore_mem>>) src(%dma_wait3A_76 : memref<10000x128xf32, #tpu.memory_space<hbm>>) dst(%arg8 : memref<125x128xf32, #tpu.memory_space<vmem>>)
      %dma_wait3A_77 = arith.constant 1 : i32
      %dma_wait3A_78 = arith.constant 0 : i32
      %dma_wait3A_79 = tpu.memref_slice %arg7[%dma_wait3A_77, %dma_wait3A_78] : memref<8x125xi32, #tpu.memory_space<vmem>> -> memref<1x125xi32, #tpu.memory_space<vmem>>
      %dma_wait3A_80 = tpu.memref_squeeze %dma_wait3A_79 : memref<1x125xi32, #tpu.memory_space<vmem>> -> memref<125xi32, #tpu.memory_space<vmem>>
      %dma_wait3A_81 = arith.constant 0 : i32
      %dma_wait3A_82 = arith.constant 0 : i32
      %dma_wait3A_83 = tpu.memref_slice %arg10[%dma_wait3A_81, %dma_wait3A_82] : memref<10240x128xf32, #tpu.memory_space<vmem_shared>> -> memref<10240x128xf32, #tpu.memory_space<vmem_shared>>
      tpu.wait_indirect_dma semaphore(%arg14 : memref<!tpu.dma_semaphore, #tpu.memory_space<semaphore_mem>>) src(%arg9 : memref<125x128xf32, #tpu.memory_space<vmem>>) dst(%dma_wait3A_83 : memref<10240x128xf32, #tpu.memory_space<vmem_shared>>)
      %dma_start3A_84 = arith.constant 3 : i32
      %dma_start3A_85 = arith.constant 0 : i32
      %dma_start3A_86 = tpu.memref_slice %arg6[%dma_start3A_84, %dma_start3A_85] : memref<8x125xi32, #tpu.memory_space<vmem>> -> memref<1x125xi32, #tpu.memory_space<vmem>>
      %dma_start3A_87 = tpu.memref_squeeze %dma_start3A_86 : memref<1x125xi32, #tpu.memory_space<vmem>> -> memref<125xi32, #tpu.memory_space<vmem>>
      %dma_start3A_88 = arith.constant 0 : i32
      %dma_start3A_89 = arith.constant 0 : i32
      %dma_start3A_90 = tpu.memref_slice %arg3[%dma_start3A_88, %dma_start3A_89] : memref<10000x128xf32, #tpu.memory_space<hbm>> -> memref<10000x128xf32, #tpu.memory_space<hbm>>
      tpu.enqueue_indirect_dma source(%dma_start3A_90 : memref<10000x128xf32, #tpu.memory_space<hbm>>) target(%arg9 : memref<125x128xf32, #tpu.memory_space<vmem>>) offsets(%dma_start3A_87 : memref<125xi32, #tpu.memory_space<vmem>>) semaphore(%arg12 : memref<!tpu.dma_semaphore, #tpu.memory_space<semaphore_mem>>)
      %dma_start3A_91 = arith.constant 2 : i32
      %dma_start3A_92 = arith.constant 0 : i32
      %dma_start3A_93 = tpu.memref_slice %arg7[%dma_start3A_91, %dma_start3A_92] : memref<8x125xi32, #tpu.memory_space<vmem>> -> memref<1x125xi32, #tpu.memory_space<vmem>>
      %dma_start3A_94 = tpu.memref_squeeze %dma_start3A_93 : memref<1x125xi32, #tpu.memory_space<vmem>> -> memref<125xi32, #tpu.memory_space<vmem>>
      %dma_start3A_95 = arith.constant 0 : i32
      %dma_start3A_96 = arith.constant 0 : i32
      %dma_start3A_97 = tpu.memref_slice %arg10[%dma_start3A_95, %dma_start3A_96] : memref<10240x128xf32, #tpu.memory_space<vmem_shared>> -> memref<10240x128xf32, #tpu.memory_space<vmem_shared>>
      tpu.enqueue_indirect_dma source(%arg8 : memref<125x128xf32, #tpu.memory_space<vmem>>) target(%dma_start3A_97 : memref<10240x128xf32, #tpu.memory_space<vmem_shared>>) offsets(%dma_start3A_94 : memref<125xi32, #tpu.memory_space<vmem>>) semaphore(%arg13 : memref<!tpu.dma_semaphore, #tpu.memory_space<semaphore_mem>>) {add = true}
      %dma_wait3A_98 = arith.constant 3 : i32
      %dma_wait3A_99 = arith.constant 0 : i32
      %dma_wait3A_100 = tpu.memref_slice %arg6[%dma_wait3A_98, %dma_wait3A_99] : memref<8x125xi32, #tpu.memory_space<vmem>> -> memref<1x125xi32, #tpu.memory_space<vmem>>
      %dma_wait3A_101 = tpu.memref_squeeze %dma_wait3A_100 : memref<1x125xi32, #tpu.memory_space<vmem>> -> memref<125xi32, #tpu.memory_space<vmem>>
      %dma_wait3A_102 = arith.constant 0 : i32
      %dma_wait3A_103 = arith.constant 0 : i32
      %dma_wait3A_104 = tpu.memref_slice %arg3[%dma_wait3A_102, %dma_wait3A_103] : memref<10000x128xf32, #tpu.memory_space<hbm>> -> memref<10000x128xf32, #tpu.memory_space<hbm>>
      tpu.wait_indirect_dma semaphore(%arg12 : memref<!tpu.dma_semaphore, #tpu.memory_space<semaphore_mem>>) src(%dma_wait3A_104 : memref<10000x128xf32, #tpu.memory_space<hbm>>) dst(%arg9 : memref<125x128xf32, #tpu.memory_space<vmem>>)
      %dma_wait3A_105 = arith.constant 2 : i32
      %dma_wait3A_106 = arith.constant 0 : i32
      %dma_wait3A_107 = tpu.memref_slice %arg7[%dma_wait3A_105, %dma_wait3A_106] : memref<8x125xi32, #tpu.memory_space<vmem>> -> memref<1x125xi32, #tpu.memory_space<vmem>>
      %dma_wait3A_108 = tpu.memref_squeeze %dma_wait3A_107 : memref<1x125xi32, #tpu.memory_space<vmem>> -> memref<125xi32, #tpu.memory_space<vmem>>
      %dma_wait3A_109 = arith.constant 0 : i32
      %dma_wait3A_110 = arith.constant 0 : i32
      %dma_wait3A_111 = tpu.memref_slice %arg10[%dma_wait3A_109, %dma_wait3A_110] : memref<10240x128xf32, #tpu.memory_space<vmem_shared>> -> memref<10240x128xf32, #tpu.memory_space<vmem_shared>>
      tpu.wait_indirect_dma semaphore(%arg13 : memref<!tpu.dma_semaphore, #tpu.memory_space<semaphore_mem>>) src(%arg8 : memref<125x128xf32, #tpu.memory_space<vmem>>) dst(%dma_wait3A_111 : memref<10240x128xf32, #tpu.memory_space<vmem_shared>>)
      %dma_start3A_112 = arith.constant 4 : i32
      %dma_start3A_113 = arith.constant 0 : i32
      %dma_start3A_114 = tpu.memref_slice %arg6[%dma_start3A_112, %dma_start3A_113] : memref<8x125xi32, #tpu.memory_space<vmem>> -> memref<1x125xi32, #tpu.memory_space<vmem>>
      %dma_start3A_115 = tpu.memref_squeeze %dma_start3A_114 : memref<1x125xi32, #tpu.memory_space<vmem>> -> memref<125xi32, #tpu.memory_space<vmem>>
      %dma_start3A_116 = arith.constant 0 : i32
      %dma_start3A_117 = arith.constant 0 : i32
      %dma_start3A_118 = tpu.memref_slice %arg3[%dma_start3A_116, %dma_start3A_117] : memref<10000x128xf32, #tpu.memory_space<hbm>> -> memref<10000x128xf32, #tpu.memory_space<hbm>>
      tpu.enqueue_indirect_dma source(%dma_start3A_118 : memref<10000x128xf32, #tpu.memory_space<hbm>>) target(%arg8 : memref<125x128xf32, #tpu.memory_space<vmem>>) offsets(%dma_start3A_115 : memref<125xi32, #tpu.memory_space<vmem>>) semaphore(%arg11 : memref<!tpu.dma_semaphore, #tpu.memory_space<semaphore_mem>>)
      %dma_start3A_119 = arith.constant 3 : i32
      %dma_start3A_120 = arith.constant 0 : i32
      %dma_start3A_121 = tpu.memref_slice %arg7[%dma_start3A_119, %dma_start3A_120] : memref<8x125xi32, #tpu.memory_space<vmem>> -> memref<1x125xi32, #tpu.memory_space<vmem>>
      %dma_start3A_122 = tpu.memref_squeeze %dma_start3A_121 : memref<1x125xi32, #tpu.memory_space<vmem>> -> memref<125xi32, #tpu.memory_space<vmem>>
      %dma_start3A_123 = arith.constant 0 : i32
      %dma_start3A_124 = arith.constant 0 : i32
      %dma_start3A_125 = tpu.memref_slice %arg10[%dma_start3A_123, %dma_start3A_124] : memref<10240x128xf32, #tpu.memory_space<vmem_shared>> -> memref<10240x128xf32, #tpu.memory_space<vmem_shared>>
      tpu.enqueue_indirect_dma source(%arg9 : memref<125x128xf32, #tpu.memory_space<vmem>>) target(%dma_start3A_125 : memref<10240x128xf32, #tpu.memory_space<vmem_shared>>) offsets(%dma_start3A_122 : memref<125xi32, #tpu.memory_space<vmem>>) semaphore(%arg14 : memref<!tpu.dma_semaphore, #tpu.memory_space<semaphore_mem>>) {add = true}
      %dma_wait3A_126 = arith.constant 4 : i32
      %dma_wait3A_127 = arith.constant 0 : i32
      %dma_wait3A_128 = tpu.memref_slice %arg6[%dma_wait3A_126, %dma_wait3A_127] : memref<8x125xi32, #tpu.memory_space<vmem>> -> memref<1x125xi32, #tpu.memory_space<vmem>>
      %dma_wait3A_129 = tpu.memref_squeeze %dma_wait3A_128 : memref<1x125xi32, #tpu.memory_space<vmem>> -> memref<125xi32, #tpu.memory_space<vmem>>
      %dma_wait3A_130 = arith.constant 0 : i32
      %dma_wait3A_131 = arith.constant 0 : i32
      %dma_wait3A_132 = tpu.memref_slice %arg3[%dma_wait3A_130, %dma_wait3A_131] : memref<10000x128xf32, #tpu.memory_space<hbm>> -> memref<10000x128xf32, #tpu.memory_space<hbm>>
      tpu.wait_indirect_dma semaphore(%arg11 : memref<!tpu.dma_semaphore, #tpu.memory_space<semaphore_mem>>) src(%dma_wait3A_132 : memref<10000x128xf32, #tpu.memory_space<hbm>>) dst(%arg8 : memref<125x128xf32, #tpu.memory_space<vmem>>)
      %dma_wait3A_133 = arith.constant 3 : i32
      %dma_wait3A_134 = arith.constant 0 : i32
      %dma_wait3A_135 = tpu.memref_slice %arg7[%dma_wait3A_133, %dma_wait3A_134] : memref<8x125xi32, #tpu.memory_space<vmem>> -> memref<1x125xi32, #tpu.memory_space<vmem>>
      %dma_wait3A_136 = tpu.memref_squeeze %dma_wait3A_135 : memref<1x125xi32, #tpu.memory_space<vmem>> -> memref<125xi32, #tpu.memory_space<vmem>>
      %dma_wait3A_137 = arith.constant 0 : i32
      %dma_wait3A_138 = arith.constant 0 : i32
      %dma_wait3A_139 = tpu.memref_slice %arg10[%dma_wait3A_137, %dma_wait3A_138] : memref<10240x128xf32, #tpu.memory_space<vmem_shared>> -> memref<10240x128xf32, #tpu.memory_space<vmem_shared>>
      tpu.wait_indirect_dma semaphore(%arg14 : memref<!tpu.dma_semaphore, #tpu.memory_space<semaphore_mem>>) src(%arg9 : memref<125x128xf32, #tpu.memory_space<vmem>>) dst(%dma_wait3A_139 : memref<10240x128xf32, #tpu.memory_space<vmem_shared>>)
      %dma_start3A_140 = arith.constant 5 : i32
      %dma_start3A_141 = arith.constant 0 : i32
      %dma_start3A_142 = tpu.memref_slice %arg6[%dma_start3A_140, %dma_start3A_141] : memref<8x125xi32, #tpu.memory_space<vmem>> -> memref<1x125xi32, #tpu.memory_space<vmem>>
      %dma_start3A_143 = tpu.memref_squeeze %dma_start3A_142 : memref<1x125xi32, #tpu.memory_space<vmem>> -> memref<125xi32, #tpu.memory_space<vmem>>
      %dma_start3A_144 = arith.constant 0 : i32
      %dma_start3A_145 = arith.constant 0 : i32
      %dma_start3A_146 = tpu.memref_slice %arg3[%dma_start3A_144, %dma_start3A_145] : memref<10000x128xf32, #tpu.memory_space<hbm>> -> memref<10000x128xf32, #tpu.memory_space<hbm>>
      tpu.enqueue_indirect_dma source(%dma_start3A_146 : memref<10000x128xf32, #tpu.memory_space<hbm>>) target(%arg9 : memref<125x128xf32, #tpu.memory_space<vmem>>) offsets(%dma_start3A_143 : memref<125xi32, #tpu.memory_space<vmem>>) semaphore(%arg12 : memref<!tpu.dma_semaphore, #tpu.memory_space<semaphore_mem>>)
      %dma_start3A_147 = arith.constant 4 : i32
      %dma_start3A_148 = arith.constant 0 : i32
      %dma_start3A_149 = tpu.memref_slice %arg7[%dma_start3A_147, %dma_start3A_148] : memref<8x125xi32, #tpu.memory_space<vmem>> -> memref<1x125xi32, #tpu.memory_space<vmem>>
      %dma_start3A_150 = tpu.memref_squeeze %dma_start3A_149 : memref<1x125xi32, #tpu.memory_space<vmem>> -> memref<125xi32, #tpu.memory_space<vmem>>
      %dma_start3A_151 = arith.constant 0 : i32
      %dma_start3A_152 = arith.constant 0 : i32
      %dma_start3A_153 = tpu.memref_slice %arg10[%dma_start3A_151, %dma_start3A_152] : memref<10240x128xf32, #tpu.memory_space<vmem_shared>> -> memref<10240x128xf32, #tpu.memory_space<vmem_shared>>
      tpu.enqueue_indirect_dma source(%arg8 : memref<125x128xf32, #tpu.memory_space<vmem>>) target(%dma_start3A_153 : memref<10240x128xf32, #tpu.memory_space<vmem_shared>>) offsets(%dma_start3A_150 : memref<125xi32, #tpu.memory_space<vmem>>) semaphore(%arg13 : memref<!tpu.dma_semaphore, #tpu.memory_space<semaphore_mem>>) {add = true}
      %dma_wait3A_154 = arith.constant 5 : i32
      %dma_wait3A_155 = arith.constant 0 : i32
      %dma_wait3A_156 = tpu.memref_slice %arg6[%dma_wait3A_154, %dma_wait3A_155] : memref<8x125xi32, #tpu.memory_space<vmem>> -> memref<1x125xi32, #tpu.memory_space<vmem>>
      %dma_wait3A_157 = tpu.memref_squeeze %dma_wait3A_156 : memref<1x125xi32, #tpu.memory_space<vmem>> -> memref<125xi32, #tpu.memory_space<vmem>>
      %dma_wait3A_158 = arith.constant 0 : i32
      %dma_wait3A_159 = arith.constant 0 : i32
      %dma_wait3A_160 = tpu.memref_slice %arg3[%dma_wait3A_158, %dma_wait3A_159] : memref<10000x128xf32, #tpu.memory_space<hbm>> -> memref<10000x128xf32, #tpu.memory_space<hbm>>
      tpu.wait_indirect_dma semaphore(%arg12 : memref<!tpu.dma_semaphore, #tpu.memory_space<semaphore_mem>>) src(%dma_wait3A_160 : memref<10000x128xf32, #tpu.memory_space<hbm>>) dst(%arg9 : memref<125x128xf32, #tpu.memory_space<vmem>>)
      %dma_wait3A_161 = arith.constant 4 : i32
      %dma_wait3A_162 = arith.constant 0 : i32
      %dma_wait3A_163 = tpu.memref_slice %arg7[%dma_wait3A_161, %dma_wait3A_162] : memref<8x125xi32, #tpu.memory_space<vmem>> -> memref<1x125xi32, #tpu.memory_space<vmem>>
      %dma_wait3A_164 = tpu.memref_squeeze %dma_wait3A_163 : memref<1x125xi32, #tpu.memory_space<vmem>> -> memref<125xi32, #tpu.memory_space<vmem>>
      %dma_wait3A_165 = arith.constant 0 : i32
      %dma_wait3A_166 = arith.constant 0 : i32
      %dma_wait3A_167 = tpu.memref_slice %arg10[%dma_wait3A_165, %dma_wait3A_166] : memref<10240x128xf32, #tpu.memory_space<vmem_shared>> -> memref<10240x128xf32, #tpu.memory_space<vmem_shared>>
      tpu.wait_indirect_dma semaphore(%arg13 : memref<!tpu.dma_semaphore, #tpu.memory_space<semaphore_mem>>) src(%arg8 : memref<125x128xf32, #tpu.memory_space<vmem>>) dst(%dma_wait3A_167 : memref<10240x128xf32, #tpu.memory_space<vmem_shared>>)
      %dma_start3A_168 = arith.constant 6 : i32
      %dma_start3A_169 = arith.constant 0 : i32
      %dma_start3A_170 = tpu.memref_slice %arg6[%dma_start3A_168, %dma_start3A_169] : memref<8x125xi32, #tpu.memory_space<vmem>> -> memref<1x125xi32, #tpu.memory_space<vmem>>
      %dma_start3A_171 = tpu.memref_squeeze %dma_start3A_170 : memref<1x125xi32, #tpu.memory_space<vmem>> -> memref<125xi32, #tpu.memory_space<vmem>>
      %dma_start3A_172 = arith.constant 0 : i32
      %dma_start3A_173 = arith.constant 0 : i32
      %dma_start3A_174 = tpu.memref_slice %arg3[%dma_start3A_172, %dma_start3A_173] : memref<10000x128xf32, #tpu.memory_space<hbm>> -> memref<10000x128xf32, #tpu.memory_space<hbm>>
      tpu.enqueue_indirect_dma source(%dma_start3A_174 : memref<10000x128xf32, #tpu.memory_space<hbm>>) target(%arg8 : memref<125x128xf32, #tpu.memory_space<vmem>>) offsets(%dma_start3A_171 : memref<125xi32, #tpu.memory_space<vmem>>) semaphore(%arg11 : memref<!tpu.dma_semaphore, #tpu.memory_space<semaphore_mem>>)
      %dma_start3A_175 = arith.constant 5 : i32
      %dma_start3A_176 = arith.constant 0 : i32
      %dma_start3A_177 = tpu.memref_slice %arg7[%dma_start3A_175, %dma_start3A_176] : memref<8x125xi32, #tpu.memory_space<vmem>> -> memref<1x125xi32, #tpu.memory_space<vmem>>
      %dma_start3A_178 = tpu.memref_squeeze %dma_start3A_177 : memref<1x125xi32, #tpu.memory_space<vmem>> -> memref<125xi32, #tpu.memory_space<vmem>>
      %dma_start3A_179 = arith.constant 0 : i32
      %dma_start3A_180 = arith.constant 0 : i32
      %dma_start3A_181 = tpu.memref_slice %arg10[%dma_start3A_179, %dma_start3A_180] : memref<10240x128xf32, #tpu.memory_space<vmem_shared>> -> memref<10240x128xf32, #tpu.memory_space<vmem_shared>>
      tpu.enqueue_indirect_dma source(%arg9 : memref<125x128xf32, #tpu.memory_space<vmem>>) target(%dma_start3A_181 : memref<10240x128xf32, #tpu.memory_space<vmem_shared>>) offsets(%dma_start3A_178 : memref<125xi32, #tpu.memory_space<vmem>>) semaphore(%arg14 : memref<!tpu.dma_semaphore, #tpu.memory_space<semaphore_mem>>) {add = true}
      %dma_wait3A_182 = arith.constant 6 : i32
      %dma_wait3A_183 = arith.constant 0 : i32
      %dma_wait3A_184 = tpu.memref_slice %arg6[%dma_wait3A_182, %dma_wait3A_183] : memref<8x125xi32, #tpu.memory_space<vmem>> -> memref<1x125xi32, #tpu.memory_space<vmem>>
      %dma_wait3A_185 = tpu.memref_squeeze %dma_wait3A_184 : memref<1x125xi32, #tpu.memory_space<vmem>> -> memref<125xi32, #tpu.memory_space<vmem>>
      %dma_wait3A_186 = arith.constant 0 : i32
      %dma_wait3A_187 = arith.constant 0 : i32
      %dma_wait3A_188 = tpu.memref_slice %arg3[%dma_wait3A_186, %dma_wait3A_187] : memref<10000x128xf32, #tpu.memory_space<hbm>> -> memref<10000x128xf32, #tpu.memory_space<hbm>>
      tpu.wait_indirect_dma semaphore(%arg11 : memref<!tpu.dma_semaphore, #tpu.memory_space<semaphore_mem>>) src(%dma_wait3A_188 : memref<10000x128xf32, #tpu.memory_space<hbm>>) dst(%arg8 : memref<125x128xf32, #tpu.memory_space<vmem>>)
      %dma_wait3A_189 = arith.constant 5 : i32
      %dma_wait3A_190 = arith.constant 0 : i32
      %dma_wait3A_191 = tpu.memref_slice %arg7[%dma_wait3A_189, %dma_wait3A_190] : memref<8x125xi32, #tpu.memory_space<vmem>> -> memref<1x125xi32, #tpu.memory_space<vmem>>
      %dma_wait3A_192 = tpu.memref_squeeze %dma_wait3A_191 : memref<1x125xi32, #tpu.memory_space<vmem>> -> memref<125xi32, #tpu.memory_space<vmem>>
      %dma_wait3A_193 = arith.constant 0 : i32
      %dma_wait3A_194 = arith.constant 0 : i32
      %dma_wait3A_195 = tpu.memref_slice %arg10[%dma_wait3A_193, %dma_wait3A_194] : memref<10240x128xf32, #tpu.memory_space<vmem_shared>> -> memref<10240x128xf32, #tpu.memory_space<vmem_shared>>
      tpu.wait_indirect_dma semaphore(%arg14 : memref<!tpu.dma_semaphore, #tpu.memory_space<semaphore_mem>>) src(%arg9 : memref<125x128xf32, #tpu.memory_space<vmem>>) dst(%dma_wait3A_195 : memref<10240x128xf32, #tpu.memory_space<vmem_shared>>)
      %dma_start3A_196 = arith.constant 7 : i32
      %dma_start3A_197 = arith.constant 0 : i32
      %dma_start3A_198 = tpu.memref_slice %arg6[%dma_start3A_196, %dma_start3A_197] : memref<8x125xi32, #tpu.memory_space<vmem>> -> memref<1x125xi32, #tpu.memory_space<vmem>>
      %dma_start3A_199 = tpu.memref_squeeze %dma_start3A_198 : memref<1x125xi32, #tpu.memory_space<vmem>> -> memref<125xi32, #tpu.memory_space<vmem>>
      %dma_start3A_200 = arith.constant 0 : i32
      %dma_start3A_201 = arith.constant 0 : i32
      %dma_start3A_202 = tpu.memref_slice %arg3[%dma_start3A_200, %dma_start3A_201] : memref<10000x128xf32, #tpu.memory_space<hbm>> -> memref<10000x128xf32, #tpu.memory_space<hbm>>
      tpu.enqueue_indirect_dma source(%dma_start3A_202 : memref<10000x128xf32, #tpu.memory_space<hbm>>) target(%arg9 : memref<125x128xf32, #tpu.memory_space<vmem>>) offsets(%dma_start3A_199 : memref<125xi32, #tpu.memory_space<vmem>>) semaphore(%arg12 : memref<!tpu.dma_semaphore, #tpu.memory_space<semaphore_mem>>)
      %dma_start3A_203 = arith.constant 6 : i32
      %dma_start3A_204 = arith.constant 0 : i32
      %dma_start3A_205 = tpu.memref_slice %arg7[%dma_start3A_203, %dma_start3A_204] : memref<8x125xi32, #tpu.memory_space<vmem>> -> memref<1x125xi32, #tpu.memory_space<vmem>>
      %dma_start3A_206 = tpu.memref_squeeze %dma_start3A_205 : memref<1x125xi32, #tpu.memory_space<vmem>> -> memref<125xi32, #tpu.memory_space<vmem>>
      %dma_start3A_207 = arith.constant 0 : i32
      %dma_start3A_208 = arith.constant 0 : i32
      %dma_start3A_209 = tpu.memref_slice %arg10[%dma_start3A_207, %dma_start3A_208] : memref<10240x128xf32, #tpu.memory_space<vmem_shared>> -> memref<10240x128xf32, #tpu.memory_space<vmem_shared>>
      tpu.enqueue_indirect_dma source(%arg8 : memref<125x128xf32, #tpu.memory_space<vmem>>) target(%dma_start3A_209 : memref<10240x128xf32, #tpu.memory_space<vmem_shared>>) offsets(%dma_start3A_206 : memref<125xi32, #tpu.memory_space<vmem>>) semaphore(%arg13 : memref<!tpu.dma_semaphore, #tpu.memory_space<semaphore_mem>>) {add = true}
      %dma_wait3A_210 = arith.constant 7 : i32
      %dma_wait3A_211 = arith.constant 0 : i32
      %dma_wait3A_212 = tpu.memref_slice %arg6[%dma_wait3A_210, %dma_wait3A_211] : memref<8x125xi32, #tpu.memory_space<vmem>> -> memref<1x125xi32, #tpu.memory_space<vmem>>
      %dma_wait3A_213 = tpu.memref_squeeze %dma_wait3A_212 : memref<1x125xi32, #tpu.memory_space<vmem>> -> memref<125xi32, #tpu.memory_space<vmem>>
      %dma_wait3A_214 = arith.constant 0 : i32
      %dma_wait3A_215 = arith.constant 0 : i32
      %dma_wait3A_216 = tpu.memref_slice %arg3[%dma_wait3A_214, %dma_wait3A_215] : memref<10000x128xf32, #tpu.memory_space<hbm>> -> memref<10000x128xf32, #tpu.memory_space<hbm>>
      tpu.wait_indirect_dma semaphore(%arg12 : memref<!tpu.dma_semaphore, #tpu.memory_space<semaphore_mem>>) src(%dma_wait3A_216 : memref<10000x128xf32, #tpu.memory_space<hbm>>) dst(%arg9 : memref<125x128xf32, #tpu.memory_space<vmem>>)
      %dma_start3A_217 = arith.constant 7 : i32
      %dma_start3A_218 = arith.constant 0 : i32
      %dma_start3A_219 = tpu.memref_slice %arg7[%dma_start3A_217, %dma_start3A_218] : memref<8x125xi32, #tpu.memory_space<vmem>> -> memref<1x125xi32, #tpu.memory_space<vmem>>
      %dma_start3A_220 = tpu.memref_squeeze %dma_start3A_219 : memref<1x125xi32, #tpu.memory_space<vmem>> -> memref<125xi32, #tpu.memory_space<vmem>>
      %dma_start3A_221 = arith.constant 0 : i32
      %dma_start3A_222 = arith.constant 0 : i32
      %dma_start3A_223 = tpu.memref_slice %arg10[%dma_start3A_221, %dma_start3A_222] : memref<10240x128xf32, #tpu.memory_space<vmem_shared>> -> memref<10240x128xf32, #tpu.memory_space<vmem_shared>>
      tpu.enqueue_indirect_dma source(%arg9 : memref<125x128xf32, #tpu.memory_space<vmem>>) target(%dma_start3A_223 : memref<10240x128xf32, #tpu.memory_space<vmem_shared>>) offsets(%dma_start3A_220 : memref<125xi32, #tpu.memory_space<vmem>>) semaphore(%arg14 : memref<!tpu.dma_semaphore, #tpu.memory_space<semaphore_mem>>) {add = true}
      %dma_wait3A_224 = arith.constant 6 : i32
      %dma_wait3A_225 = arith.constant 0 : i32
      %dma_wait3A_226 = tpu.memref_slice %arg7[%dma_wait3A_224, %dma_wait3A_225] : memref<8x125xi32, #tpu.memory_space<vmem>> -> memref<1x125xi32, #tpu.memory_space<vmem>>
      %dma_wait3A_227 = tpu.memref_squeeze %dma_wait3A_226 : memref<1x125xi32, #tpu.memory_space<vmem>> -> memref<125xi32, #tpu.memory_space<vmem>>
      %dma_wait3A_228 = arith.constant 0 : i32
      %dma_wait3A_229 = arith.constant 0 : i32
      %dma_wait3A_230 = tpu.memref_slice %arg10[%dma_wait3A_228, %dma_wait3A_229] : memref<10240x128xf32, #tpu.memory_space<vmem_shared>> -> memref<10240x128xf32, #tpu.memory_space<vmem_shared>>
      tpu.wait_indirect_dma semaphore(%arg13 : memref<!tpu.dma_semaphore, #tpu.memory_space<semaphore_mem>>) src(%arg8 : memref<125x128xf32, #tpu.memory_space<vmem>>) dst(%dma_wait3A_230 : memref<10240x128xf32, #tpu.memory_space<vmem_shared>>)
      %dma_wait3A_231 = arith.constant 7 : i32
      %dma_wait3A_232 = arith.constant 0 : i32
      %dma_wait3A_233 = tpu.memref_slice %arg7[%dma_wait3A_231, %dma_wait3A_232] : memref<8x125xi32, #tpu.memory_space<vmem>> -> memref<1x125xi32, #tpu.memory_space<vmem>>
      %dma_wait3A_234 = tpu.memref_squeeze %dma_wait3A_233 : memref<1x125xi32, #tpu.memory_space<vmem>> -> memref<125xi32, #tpu.memory_space<vmem>>
      %dma_wait3A_235 = arith.constant 0 : i32
      %dma_wait3A_236 = arith.constant 0 : i32
      %dma_wait3A_237 = tpu.memref_slice %arg10[%dma_wait3A_235, %dma_wait3A_236] : memref<10240x128xf32, #tpu.memory_space<vmem_shared>> -> memref<10240x128xf32, #tpu.memory_space<vmem_shared>>
      tpu.wait_indirect_dma semaphore(%arg14 : memref<!tpu.dma_semaphore, #tpu.memory_space<semaphore_mem>>) src(%arg9 : memref<125x128xf32, #tpu.memory_space<vmem>>) dst(%dma_wait3A_237 : memref<10240x128xf32, #tpu.memory_space<vmem_shared>>)
    }
    %scan3A_9 = arith.constant 10 : i32
    %barrier3A_10 = arith.constant 0 : index
    tpu.barrier barrier_id(%barrier3A_10)
    "tpu.region"() ({
      %run_scoped3A = tpu.sem_alloc : memref<!tpu.dma_semaphore, #tpu.memory_space<semaphore_mem>>
      %dma_start3A = arith.constant 0 : i32
      %dma_start3A_11 = tpu.memref_slice %arg5[%arg0, %mul3A_2, %dma_start3A] : memref<2x10240x128xf32, #tpu.memory_space<hbm>> -> memref<1x640x128xf32, #tpu.memory_space<hbm>>
      %dma_start3A_12 = tpu.memref_squeeze %dma_start3A_11 : memref<1x640x128xf32, #tpu.memory_space<hbm>> -> memref<640x128xf32, #tpu.memory_space<hbm>>
      %dma_start3A_13 = arith.constant 0 : i32
      %dma_start3A_14 = tpu.memref_slice %arg10[%mul3A_2, %dma_start3A_13] : memref<10240x128xf32, #tpu.memory_space<vmem_shared>> -> memref<640x128xf32, #tpu.memory_space<vmem_shared>>
      tpu.enqueue_dma source(%dma_start3A_14 : memref<640x128xf32, #tpu.memory_space<vmem_shared>>) target(%dma_start3A_12 : memref<640x128xf32, #tpu.memory_space<hbm>>) target_semaphore(%run_scoped3A : memref<!tpu.dma_semaphore, #tpu.memory_space<semaphore_mem>>)
      %dma_wait3A = arith.constant 0 : i32
      %dma_wait3A_15 = tpu.memref_slice %arg5[%arg0, %mul3A_2, %dma_wait3A] : memref<2x10240x128xf32, #tpu.memory_space<hbm>> -> memref<1x640x128xf32, #tpu.memory_space<hbm>>
      %dma_wait3A_16 = tpu.memref_squeeze %dma_wait3A_15 : memref<1x640x128xf32, #tpu.memory_space<hbm>> -> memref<640x128xf32, #tpu.memory_space<hbm>>
      %dma_wait3A_17 = arith.constant 0 : i32
      %dma_wait3A_18 = tpu.memref_slice %arg10[%mul3A_2, %dma_wait3A_17] : memref<10240x128xf32, #tpu.memory_space<vmem_shared>> -> memref<640x128xf32, #tpu.memory_space<vmem_shared>>
      tpu.wait_dma2 semaphore(%run_scoped3A : memref<!tpu.dma_semaphore, #tpu.memory_space<semaphore_mem>>) src(%dma_wait3A_18 : memref<640x128xf32, #tpu.memory_space<vmem_shared>>) dst(%dma_wait3A_16 : memref<640x128xf32, #tpu.memory_space<hbm>>)
      tpu.yield
    }) : () -> ()
    return
  }
}

#map = affine_map<(d0, d1) -> (0, 0, 0)>
#map1 = affine_map<(d0, d1) -> (0, 0)>
module attributes {stable_mosaic.version = 14 : i64} {
  func.func @_deg_call(%arg0: i32, %arg1: i32, %arg2: memref<2x2560x125xi32, #tpu.memory_space<hbm>>, %arg3: memref<125x128xf32, #tpu.memory_space<hbm>>, %arg4: memref<10240x128xf32, #tpu.memory_space<hbm>>, %arg5: memref<2x10240x128xf32, #tpu.memory_space<hbm>>, %arg6: memref<80x125xi32, #tpu.memory_space<vmem>>, %arg7: memref<125x128xf32, #tpu.memory_space<vmem>>, %arg8: memref<10240x128xf32, #tpu.memory_space<vmem_shared>>, %arg9: memref<!tpu.dma_semaphore, #tpu.memory_space<semaphore_mem>>) attributes {dimension_semantics = [#tpu.dimension_semantics<core_parallel>, #tpu.dimension_semantics<subcore_parallel>], iteration_bounds = array<i64: 2, 16>, scalar_prefetch = 0 : i64, scratch_operands = 4 : i64, tpu.core_type = #tpu.core_type<sc_vector_subcore>, window_params = [{transform_indices = #map}, {transform_indices = #map1}, {transform_indices = #map1}, {transform_indices = #map}]} {
    %mul3A = arith.constant 16 : i32
    %mul3A_0 = arith.muli %arg0, %mul3A : i32
    %add3A = arith.addi %mul3A_0, %arg1 : i32
    %mul3A_1 = arith.constant 640 : i32
    %mul3A_2 = arith.muli %arg1, %mul3A_1 : i32
    "tpu.region"() ({
      %run_scoped3A_11 = tpu.sem_alloc : memref<!tpu.dma_semaphore, #tpu.memory_space<semaphore_mem>>
      %dma_start3A = arith.constant 0 : i32
      %dma_start3A_12 = tpu.memref_slice %arg8[%mul3A_2, %dma_start3A] : memref<10240x128xf32, #tpu.memory_space<vmem_shared>> -> memref<640x128xf32, #tpu.memory_space<vmem_shared>>
      %dma_start3A_13 = arith.constant 0 : i32
      %dma_start3A_14 = tpu.memref_slice %arg4[%mul3A_2, %dma_start3A_13] : memref<10240x128xf32, #tpu.memory_space<hbm>> -> memref<640x128xf32, #tpu.memory_space<hbm>>
      tpu.enqueue_dma source(%dma_start3A_14 : memref<640x128xf32, #tpu.memory_space<hbm>>) target(%dma_start3A_12 : memref<640x128xf32, #tpu.memory_space<vmem_shared>>) target_semaphore(%run_scoped3A_11 : memref<!tpu.dma_semaphore, #tpu.memory_space<semaphore_mem>>)
      %dma_wait3A = arith.constant 0 : i32
      %dma_wait3A_15 = tpu.memref_slice %arg8[%mul3A_2, %dma_wait3A] : memref<10240x128xf32, #tpu.memory_space<vmem_shared>> -> memref<640x128xf32, #tpu.memory_space<vmem_shared>>
      %dma_wait3A_16 = arith.constant 0 : i32
      %dma_wait3A_17 = tpu.memref_slice %arg4[%mul3A_2, %dma_wait3A_16] : memref<10240x128xf32, #tpu.memory_space<hbm>> -> memref<640x128xf32, #tpu.memory_space<hbm>>
      tpu.wait_dma2 semaphore(%run_scoped3A_11 : memref<!tpu.dma_semaphore, #tpu.memory_space<semaphore_mem>>) src(%dma_wait3A_17 : memref<640x128xf32, #tpu.memory_space<hbm>>) dst(%dma_wait3A_15 : memref<640x128xf32, #tpu.memory_space<vmem_shared>>)
      tpu.yield
    }) : () -> ()
    "tpu.region"() ({
      %run_scoped3A_11 = tpu.sem_alloc : memref<!tpu.dma_semaphore, #tpu.memory_space<semaphore_mem>>
      tpu.enqueue_dma source(%arg3 : memref<125x128xf32, #tpu.memory_space<hbm>>) target(%arg7 : memref<125x128xf32, #tpu.memory_space<vmem>>) target_semaphore(%run_scoped3A_11 : memref<!tpu.dma_semaphore, #tpu.memory_space<semaphore_mem>>)
      tpu.wait_dma2 semaphore(%run_scoped3A_11 : memref<!tpu.dma_semaphore, #tpu.memory_space<semaphore_mem>>) src(%arg3 : memref<125x128xf32, #tpu.memory_space<hbm>>) dst(%arg7 : memref<125x128xf32, #tpu.memory_space<vmem>>)
      tpu.yield
    }) : () -> ()
    %mul3A_3 = arith.constant 80 : i32
    %mul3A_4 = arith.muli %add3A, %mul3A_3 : i32
    %run_scoped3A = arith.constant 1 : i32
    "tpu.region"() ({
      %run_scoped3A_11 = tpu.sem_alloc : memref<!tpu.dma_semaphore, #tpu.memory_space<semaphore_mem>>
      %dma_start3A = arith.constant 0 : i32
      %dma_start3A_12 = tpu.memref_slice %arg2[%run_scoped3A, %mul3A_4, %dma_start3A] : memref<2x2560x125xi32, #tpu.memory_space<hbm>> -> memref<1x80x125xi32, #tpu.memory_space<hbm>>
      %dma_start3A_13 = tpu.memref_squeeze %dma_start3A_12 : memref<1x80x125xi32, #tpu.memory_space<hbm>> -> memref<80x125xi32, #tpu.memory_space<hbm>>
      %dma_start3A_14 = arith.constant 0 : i32
      %dma_start3A_15 = tpu.memref_slice %arg2[%run_scoped3A, %mul3A_4, %dma_start3A_14] : memref<2x2560x125xi32, #tpu.memory_space<hbm>> -> memref<1x80x125xi32, #tpu.memory_space<hbm>>
      %dma_start3A_16 = tpu.memref_squeeze %dma_start3A_15 : memref<1x80x125xi32, #tpu.memory_space<hbm>> -> memref<80x125xi32, #tpu.memory_space<hbm>>
      tpu.enqueue_dma source(%dma_start3A_16 : memref<80x125xi32, #tpu.memory_space<hbm>>) target(%arg6 : memref<80x125xi32, #tpu.memory_space<vmem>>) target_semaphore(%run_scoped3A_11 : memref<!tpu.dma_semaphore, #tpu.memory_space<semaphore_mem>>)
      %dma_wait3A = arith.constant 0 : i32
      %dma_wait3A_17 = tpu.memref_slice %arg2[%run_scoped3A, %mul3A_4, %dma_wait3A] : memref<2x2560x125xi32, #tpu.memory_space<hbm>> -> memref<1x80x125xi32, #tpu.memory_space<hbm>>
      %dma_wait3A_18 = tpu.memref_squeeze %dma_wait3A_17 : memref<1x80x125xi32, #tpu.memory_space<hbm>> -> memref<80x125xi32, #tpu.memory_space<hbm>>
      %dma_wait3A_19 = arith.constant 0 : i32
      %dma_wait3A_20 = tpu.memref_slice %arg2[%run_scoped3A, %mul3A_4, %dma_wait3A_19] : memref<2x2560x125xi32, #tpu.memory_space<hbm>> -> memref<1x80x125xi32, #tpu.memory_space<hbm>>
      %dma_wait3A_21 = tpu.memref_squeeze %dma_wait3A_20 : memref<1x80x125xi32, #tpu.memory_space<hbm>> -> memref<80x125xi32, #tpu.memory_space<hbm>>
      tpu.wait_dma2 semaphore(%run_scoped3A_11 : memref<!tpu.dma_semaphore, #tpu.memory_space<semaphore_mem>>) src(%dma_wait3A_21 : memref<80x125xi32, #tpu.memory_space<hbm>>) dst(%arg6 : memref<80x125xi32, #tpu.memory_space<vmem>>)
      tpu.yield
    }) : () -> ()
    %barrier3A = arith.constant 0 : index
    tpu.barrier barrier_id(%barrier3A)
    %scan3A = arith.constant 0 : i32
    %scan3A_5 = arith.constant 0 : i32
    %scan3A_6 = arith.constant 10 : i32
    %scan3A_7 = arith.addi %scan3A_5, %scan3A_6 : i32
    %scan3A_8 = arith.constant 1 : i32
    scf.for %scan3A_11 = %scan3A_5 to %scan3A_7 step %scan3A_8  : i32 {
      %mul3A_12 = arith.constant 8 : i32
      %mul3A_13 = arith.muli %scan3A_11, %mul3A_12 : i32
      %add3A_14 = arith.constant 0 : i32
      %add3A_15 = arith.addi %mul3A_13, %add3A_14 : i32
      %dma_start3A = arith.constant 0 : i32
      %dma_start3A_16 = tpu.memref_slice %arg6[%add3A_15, %dma_start3A] : memref<80x125xi32, #tpu.memory_space<vmem>> -> memref<1x125xi32, #tpu.memory_space<vmem>>
      %dma_start3A_17 = tpu.memref_squeeze %dma_start3A_16 : memref<1x125xi32, #tpu.memory_space<vmem>> -> memref<125xi32, #tpu.memory_space<vmem>>
      %dma_start3A_18 = arith.constant 0 : i32
      %dma_start3A_19 = arith.constant 0 : i32
      %dma_start3A_20 = tpu.memref_slice %arg8[%dma_start3A_18, %dma_start3A_19] : memref<10240x128xf32, #tpu.memory_space<vmem_shared>> -> memref<10240x128xf32, #tpu.memory_space<vmem_shared>>
      tpu.enqueue_indirect_dma source(%arg7 : memref<125x128xf32, #tpu.memory_space<vmem>>) target(%dma_start3A_20 : memref<10240x128xf32, #tpu.memory_space<vmem_shared>>) offsets(%dma_start3A_17 : memref<125xi32, #tpu.memory_space<vmem>>) semaphore(%arg9 : memref<!tpu.dma_semaphore, #tpu.memory_space<semaphore_mem>>) {add = true}
      %mul3A_21 = arith.constant 8 : i32
      %mul3A_22 = arith.muli %scan3A_11, %mul3A_21 : i32
      %add3A_23 = arith.constant 1 : i32
      %add3A_24 = arith.addi %mul3A_22, %add3A_23 : i32
      %dma_start3A_25 = arith.constant 0 : i32
      %dma_start3A_26 = tpu.memref_slice %arg6[%add3A_24, %dma_start3A_25] : memref<80x125xi32, #tpu.memory_space<vmem>> -> memref<1x125xi32, #tpu.memory_space<vmem>>
      %dma_start3A_27 = tpu.memref_squeeze %dma_start3A_26 : memref<1x125xi32, #tpu.memory_space<vmem>> -> memref<125xi32, #tpu.memory_space<vmem>>
      %dma_start3A_28 = arith.constant 0 : i32
      %dma_start3A_29 = arith.constant 0 : i32
      %dma_start3A_30 = tpu.memref_slice %arg8[%dma_start3A_28, %dma_start3A_29] : memref<10240x128xf32, #tpu.memory_space<vmem_shared>> -> memref<10240x128xf32, #tpu.memory_space<vmem_shared>>
      tpu.enqueue_indirect_dma source(%arg7 : memref<125x128xf32, #tpu.memory_space<vmem>>) target(%dma_start3A_30 : memref<10240x128xf32, #tpu.memory_space<vmem_shared>>) offsets(%dma_start3A_27 : memref<125xi32, #tpu.memory_space<vmem>>) semaphore(%arg9 : memref<!tpu.dma_semaphore, #tpu.memory_space<semaphore_mem>>) {add = true}
      %mul3A_31 = arith.constant 8 : i32
      %mul3A_32 = arith.muli %scan3A_11, %mul3A_31 : i32
      %add3A_33 = arith.constant 2 : i32
      %add3A_34 = arith.addi %mul3A_32, %add3A_33 : i32
      %dma_start3A_35 = arith.constant 0 : i32
      %dma_start3A_36 = tpu.memref_slice %arg6[%add3A_34, %dma_start3A_35] : memref<80x125xi32, #tpu.memory_space<vmem>> -> memref<1x125xi32, #tpu.memory_space<vmem>>
      %dma_start3A_37 = tpu.memref_squeeze %dma_start3A_36 : memref<1x125xi32, #tpu.memory_space<vmem>> -> memref<125xi32, #tpu.memory_space<vmem>>
      %dma_start3A_38 = arith.constant 0 : i32
      %dma_start3A_39 = arith.constant 0 : i32
      %dma_start3A_40 = tpu.memref_slice %arg8[%dma_start3A_38, %dma_start3A_39] : memref<10240x128xf32, #tpu.memory_space<vmem_shared>> -> memref<10240x128xf32, #tpu.memory_space<vmem_shared>>
      tpu.enqueue_indirect_dma source(%arg7 : memref<125x128xf32, #tpu.memory_space<vmem>>) target(%dma_start3A_40 : memref<10240x128xf32, #tpu.memory_space<vmem_shared>>) offsets(%dma_start3A_37 : memref<125xi32, #tpu.memory_space<vmem>>) semaphore(%arg9 : memref<!tpu.dma_semaphore, #tpu.memory_space<semaphore_mem>>) {add = true}
      %mul3A_41 = arith.constant 8 : i32
      %mul3A_42 = arith.muli %scan3A_11, %mul3A_41 : i32
      %add3A_43 = arith.constant 3 : i32
      %add3A_44 = arith.addi %mul3A_42, %add3A_43 : i32
      %dma_start3A_45 = arith.constant 0 : i32
      %dma_start3A_46 = tpu.memref_slice %arg6[%add3A_44, %dma_start3A_45] : memref<80x125xi32, #tpu.memory_space<vmem>> -> memref<1x125xi32, #tpu.memory_space<vmem>>
      %dma_start3A_47 = tpu.memref_squeeze %dma_start3A_46 : memref<1x125xi32, #tpu.memory_space<vmem>> -> memref<125xi32, #tpu.memory_space<vmem>>
      %dma_start3A_48 = arith.constant 0 : i32
      %dma_start3A_49 = arith.constant 0 : i32
      %dma_start3A_50 = tpu.memref_slice %arg8[%dma_start3A_48, %dma_start3A_49] : memref<10240x128xf32, #tpu.memory_space<vmem_shared>> -> memref<10240x128xf32, #tpu.memory_space<vmem_shared>>
      tpu.enqueue_indirect_dma source(%arg7 : memref<125x128xf32, #tpu.memory_space<vmem>>) target(%dma_start3A_50 : memref<10240x128xf32, #tpu.memory_space<vmem_shared>>) offsets(%dma_start3A_47 : memref<125xi32, #tpu.memory_space<vmem>>) semaphore(%arg9 : memref<!tpu.dma_semaphore, #tpu.memory_space<semaphore_mem>>) {add = true}
      %mul3A_51 = arith.constant 8 : i32
      %mul3A_52 = arith.muli %scan3A_11, %mul3A_51 : i32
      %add3A_53 = arith.constant 4 : i32
      %add3A_54 = arith.addi %mul3A_52, %add3A_53 : i32
      %dma_start3A_55 = arith.constant 0 : i32
      %dma_start3A_56 = tpu.memref_slice %arg6[%add3A_54, %dma_start3A_55] : memref<80x125xi32, #tpu.memory_space<vmem>> -> memref<1x125xi32, #tpu.memory_space<vmem>>
      %dma_start3A_57 = tpu.memref_squeeze %dma_start3A_56 : memref<1x125xi32, #tpu.memory_space<vmem>> -> memref<125xi32, #tpu.memory_space<vmem>>
      %dma_start3A_58 = arith.constant 0 : i32
      %dma_start3A_59 = arith.constant 0 : i32
      %dma_start3A_60 = tpu.memref_slice %arg8[%dma_start3A_58, %dma_start3A_59] : memref<10240x128xf32, #tpu.memory_space<vmem_shared>> -> memref<10240x128xf32, #tpu.memory_space<vmem_shared>>
      tpu.enqueue_indirect_dma source(%arg7 : memref<125x128xf32, #tpu.memory_space<vmem>>) target(%dma_start3A_60 : memref<10240x128xf32, #tpu.memory_space<vmem_shared>>) offsets(%dma_start3A_57 : memref<125xi32, #tpu.memory_space<vmem>>) semaphore(%arg9 : memref<!tpu.dma_semaphore, #tpu.memory_space<semaphore_mem>>) {add = true}
      %mul3A_61 = arith.constant 8 : i32
      %mul3A_62 = arith.muli %scan3A_11, %mul3A_61 : i32
      %add3A_63 = arith.constant 5 : i32
      %add3A_64 = arith.addi %mul3A_62, %add3A_63 : i32
      %dma_start3A_65 = arith.constant 0 : i32
      %dma_start3A_66 = tpu.memref_slice %arg6[%add3A_64, %dma_start3A_65] : memref<80x125xi32, #tpu.memory_space<vmem>> -> memref<1x125xi32, #tpu.memory_space<vmem>>
      %dma_start3A_67 = tpu.memref_squeeze %dma_start3A_66 : memref<1x125xi32, #tpu.memory_space<vmem>> -> memref<125xi32, #tpu.memory_space<vmem>>
      %dma_start3A_68 = arith.constant 0 : i32
      %dma_start3A_69 = arith.constant 0 : i32
      %dma_start3A_70 = tpu.memref_slice %arg8[%dma_start3A_68, %dma_start3A_69] : memref<10240x128xf32, #tpu.memory_space<vmem_shared>> -> memref<10240x128xf32, #tpu.memory_space<vmem_shared>>
      tpu.enqueue_indirect_dma source(%arg7 : memref<125x128xf32, #tpu.memory_space<vmem>>) target(%dma_start3A_70 : memref<10240x128xf32, #tpu.memory_space<vmem_shared>>) offsets(%dma_start3A_67 : memref<125xi32, #tpu.memory_space<vmem>>) semaphore(%arg9 : memref<!tpu.dma_semaphore, #tpu.memory_space<semaphore_mem>>) {add = true}
      %mul3A_71 = arith.constant 8 : i32
      %mul3A_72 = arith.muli %scan3A_11, %mul3A_71 : i32
      %add3A_73 = arith.constant 6 : i32
      %add3A_74 = arith.addi %mul3A_72, %add3A_73 : i32
      %dma_start3A_75 = arith.constant 0 : i32
      %dma_start3A_76 = tpu.memref_slice %arg6[%add3A_74, %dma_start3A_75] : memref<80x125xi32, #tpu.memory_space<vmem>> -> memref<1x125xi32, #tpu.memory_space<vmem>>
      %dma_start3A_77 = tpu.memref_squeeze %dma_start3A_76 : memref<1x125xi32, #tpu.memory_space<vmem>> -> memref<125xi32, #tpu.memory_space<vmem>>
      %dma_start3A_78 = arith.constant 0 : i32
      %dma_start3A_79 = arith.constant 0 : i32
      %dma_start3A_80 = tpu.memref_slice %arg8[%dma_start3A_78, %dma_start3A_79] : memref<10240x128xf32, #tpu.memory_space<vmem_shared>> -> memref<10240x128xf32, #tpu.memory_space<vmem_shared>>
      tpu.enqueue_indirect_dma source(%arg7 : memref<125x128xf32, #tpu.memory_space<vmem>>) target(%dma_start3A_80 : memref<10240x128xf32, #tpu.memory_space<vmem_shared>>) offsets(%dma_start3A_77 : memref<125xi32, #tpu.memory_space<vmem>>) semaphore(%arg9 : memref<!tpu.dma_semaphore, #tpu.memory_space<semaphore_mem>>) {add = true}
      %mul3A_81 = arith.constant 8 : i32
      %mul3A_82 = arith.muli %scan3A_11, %mul3A_81 : i32
      %add3A_83 = arith.constant 7 : i32
      %add3A_84 = arith.addi %mul3A_82, %add3A_83 : i32
      %dma_start3A_85 = arith.constant 0 : i32
      %dma_start3A_86 = tpu.memref_slice %arg6[%add3A_84, %dma_start3A_85] : memref<80x125xi32, #tpu.memory_space<vmem>> -> memref<1x125xi32, #tpu.memory_space<vmem>>
      %dma_start3A_87 = tpu.memref_squeeze %dma_start3A_86 : memref<1x125xi32, #tpu.memory_space<vmem>> -> memref<125xi32, #tpu.memory_space<vmem>>
      %dma_start3A_88 = arith.constant 0 : i32
      %dma_start3A_89 = arith.constant 0 : i32
      %dma_start3A_90 = tpu.memref_slice %arg8[%dma_start3A_88, %dma_start3A_89] : memref<10240x128xf32, #tpu.memory_space<vmem_shared>> -> memref<10240x128xf32, #tpu.memory_space<vmem_shared>>
      tpu.enqueue_indirect_dma source(%arg7 : memref<125x128xf32, #tpu.memory_space<vmem>>) target(%dma_start3A_90 : memref<10240x128xf32, #tpu.memory_space<vmem_shared>>) offsets(%dma_start3A_87 : memref<125xi32, #tpu.memory_space<vmem>>) semaphore(%arg9 : memref<!tpu.dma_semaphore, #tpu.memory_space<semaphore_mem>>) {add = true}
      %dma_wait3A = arith.constant 0 : i32
      %dma_wait3A_91 = tpu.memref_slice %arg6[%add3A_15, %dma_wait3A] : memref<80x125xi32, #tpu.memory_space<vmem>> -> memref<1x125xi32, #tpu.memory_space<vmem>>
      %dma_wait3A_92 = tpu.memref_squeeze %dma_wait3A_91 : memref<1x125xi32, #tpu.memory_space<vmem>> -> memref<125xi32, #tpu.memory_space<vmem>>
      %dma_wait3A_93 = arith.constant 0 : i32
      %dma_wait3A_94 = arith.constant 0 : i32
      %dma_wait3A_95 = tpu.memref_slice %arg8[%dma_wait3A_93, %dma_wait3A_94] : memref<10240x128xf32, #tpu.memory_space<vmem_shared>> -> memref<10240x128xf32, #tpu.memory_space<vmem_shared>>
      tpu.wait_indirect_dma semaphore(%arg9 : memref<!tpu.dma_semaphore, #tpu.memory_space<semaphore_mem>>) src(%arg7 : memref<125x128xf32, #tpu.memory_space<vmem>>) dst(%dma_wait3A_95 : memref<10240x128xf32, #tpu.memory_space<vmem_shared>>)
      %dma_wait3A_96 = arith.constant 0 : i32
      %dma_wait3A_97 = tpu.memref_slice %arg6[%add3A_24, %dma_wait3A_96] : memref<80x125xi32, #tpu.memory_space<vmem>> -> memref<1x125xi32, #tpu.memory_space<vmem>>
      %dma_wait3A_98 = tpu.memref_squeeze %dma_wait3A_97 : memref<1x125xi32, #tpu.memory_space<vmem>> -> memref<125xi32, #tpu.memory_space<vmem>>
      %dma_wait3A_99 = arith.constant 0 : i32
      %dma_wait3A_100 = arith.constant 0 : i32
      %dma_wait3A_101 = tpu.memref_slice %arg8[%dma_wait3A_99, %dma_wait3A_100] : memref<10240x128xf32, #tpu.memory_space<vmem_shared>> -> memref<10240x128xf32, #tpu.memory_space<vmem_shared>>
      tpu.wait_indirect_dma semaphore(%arg9 : memref<!tpu.dma_semaphore, #tpu.memory_space<semaphore_mem>>) src(%arg7 : memref<125x128xf32, #tpu.memory_space<vmem>>) dst(%dma_wait3A_101 : memref<10240x128xf32, #tpu.memory_space<vmem_shared>>)
      %dma_wait3A_102 = arith.constant 0 : i32
      %dma_wait3A_103 = tpu.memref_slice %arg6[%add3A_34, %dma_wait3A_102] : memref<80x125xi32, #tpu.memory_space<vmem>> -> memref<1x125xi32, #tpu.memory_space<vmem>>
      %dma_wait3A_104 = tpu.memref_squeeze %dma_wait3A_103 : memref<1x125xi32, #tpu.memory_space<vmem>> -> memref<125xi32, #tpu.memory_space<vmem>>
      %dma_wait3A_105 = arith.constant 0 : i32
      %dma_wait3A_106 = arith.constant 0 : i32
      %dma_wait3A_107 = tpu.memref_slice %arg8[%dma_wait3A_105, %dma_wait3A_106] : memref<10240x128xf32, #tpu.memory_space<vmem_shared>> -> memref<10240x128xf32, #tpu.memory_space<vmem_shared>>
      tpu.wait_indirect_dma semaphore(%arg9 : memref<!tpu.dma_semaphore, #tpu.memory_space<semaphore_mem>>) src(%arg7 : memref<125x128xf32, #tpu.memory_space<vmem>>) dst(%dma_wait3A_107 : memref<10240x128xf32, #tpu.memory_space<vmem_shared>>)
      %dma_wait3A_108 = arith.constant 0 : i32
      %dma_wait3A_109 = tpu.memref_slice %arg6[%add3A_44, %dma_wait3A_108] : memref<80x125xi32, #tpu.memory_space<vmem>> -> memref<1x125xi32, #tpu.memory_space<vmem>>
      %dma_wait3A_110 = tpu.memref_squeeze %dma_wait3A_109 : memref<1x125xi32, #tpu.memory_space<vmem>> -> memref<125xi32, #tpu.memory_space<vmem>>
      %dma_wait3A_111 = arith.constant 0 : i32
      %dma_wait3A_112 = arith.constant 0 : i32
      %dma_wait3A_113 = tpu.memref_slice %arg8[%dma_wait3A_111, %dma_wait3A_112] : memref<10240x128xf32, #tpu.memory_space<vmem_shared>> -> memref<10240x128xf32, #tpu.memory_space<vmem_shared>>
      tpu.wait_indirect_dma semaphore(%arg9 : memref<!tpu.dma_semaphore, #tpu.memory_space<semaphore_mem>>) src(%arg7 : memref<125x128xf32, #tpu.memory_space<vmem>>) dst(%dma_wait3A_113 : memref<10240x128xf32, #tpu.memory_space<vmem_shared>>)
      %dma_wait3A_114 = arith.constant 0 : i32
      %dma_wait3A_115 = tpu.memref_slice %arg6[%add3A_54, %dma_wait3A_114] : memref<80x125xi32, #tpu.memory_space<vmem>> -> memref<1x125xi32, #tpu.memory_space<vmem>>
      %dma_wait3A_116 = tpu.memref_squeeze %dma_wait3A_115 : memref<1x125xi32, #tpu.memory_space<vmem>> -> memref<125xi32, #tpu.memory_space<vmem>>
      %dma_wait3A_117 = arith.constant 0 : i32
      %dma_wait3A_118 = arith.constant 0 : i32
      %dma_wait3A_119 = tpu.memref_slice %arg8[%dma_wait3A_117, %dma_wait3A_118] : memref<10240x128xf32, #tpu.memory_space<vmem_shared>> -> memref<10240x128xf32, #tpu.memory_space<vmem_shared>>
      tpu.wait_indirect_dma semaphore(%arg9 : memref<!tpu.dma_semaphore, #tpu.memory_space<semaphore_mem>>) src(%arg7 : memref<125x128xf32, #tpu.memory_space<vmem>>) dst(%dma_wait3A_119 : memref<10240x128xf32, #tpu.memory_space<vmem_shared>>)
      %dma_wait3A_120 = arith.constant 0 : i32
      %dma_wait3A_121 = tpu.memref_slice %arg6[%add3A_64, %dma_wait3A_120] : memref<80x125xi32, #tpu.memory_space<vmem>> -> memref<1x125xi32, #tpu.memory_space<vmem>>
      %dma_wait3A_122 = tpu.memref_squeeze %dma_wait3A_121 : memref<1x125xi32, #tpu.memory_space<vmem>> -> memref<125xi32, #tpu.memory_space<vmem>>
      %dma_wait3A_123 = arith.constant 0 : i32
      %dma_wait3A_124 = arith.constant 0 : i32
      %dma_wait3A_125 = tpu.memref_slice %arg8[%dma_wait3A_123, %dma_wait3A_124] : memref<10240x128xf32, #tpu.memory_space<vmem_shared>> -> memref<10240x128xf32, #tpu.memory_space<vmem_shared>>
      tpu.wait_indirect_dma semaphore(%arg9 : memref<!tpu.dma_semaphore, #tpu.memory_space<semaphore_mem>>) src(%arg7 : memref<125x128xf32, #tpu.memory_space<vmem>>) dst(%dma_wait3A_125 : memref<10240x128xf32, #tpu.memory_space<vmem_shared>>)
      %dma_wait3A_126 = arith.constant 0 : i32
      %dma_wait3A_127 = tpu.memref_slice %arg6[%add3A_74, %dma_wait3A_126] : memref<80x125xi32, #tpu.memory_space<vmem>> -> memref<1x125xi32, #tpu.memory_space<vmem>>
      %dma_wait3A_128 = tpu.memref_squeeze %dma_wait3A_127 : memref<1x125xi32, #tpu.memory_space<vmem>> -> memref<125xi32, #tpu.memory_space<vmem>>
      %dma_wait3A_129 = arith.constant 0 : i32
      %dma_wait3A_130 = arith.constant 0 : i32
      %dma_wait3A_131 = tpu.memref_slice %arg8[%dma_wait3A_129, %dma_wait3A_130] : memref<10240x128xf32, #tpu.memory_space<vmem_shared>> -> memref<10240x128xf32, #tpu.memory_space<vmem_shared>>
      tpu.wait_indirect_dma semaphore(%arg9 : memref<!tpu.dma_semaphore, #tpu.memory_space<semaphore_mem>>) src(%arg7 : memref<125x128xf32, #tpu.memory_space<vmem>>) dst(%dma_wait3A_131 : memref<10240x128xf32, #tpu.memory_space<vmem_shared>>)
      %dma_wait3A_132 = arith.constant 0 : i32
      %dma_wait3A_133 = tpu.memref_slice %arg6[%add3A_84, %dma_wait3A_132] : memref<80x125xi32, #tpu.memory_space<vmem>> -> memref<1x125xi32, #tpu.memory_space<vmem>>
      %dma_wait3A_134 = tpu.memref_squeeze %dma_wait3A_133 : memref<1x125xi32, #tpu.memory_space<vmem>> -> memref<125xi32, #tpu.memory_space<vmem>>
      %dma_wait3A_135 = arith.constant 0 : i32
      %dma_wait3A_136 = arith.constant 0 : i32
      %dma_wait3A_137 = tpu.memref_slice %arg8[%dma_wait3A_135, %dma_wait3A_136] : memref<10240x128xf32, #tpu.memory_space<vmem_shared>> -> memref<10240x128xf32, #tpu.memory_space<vmem_shared>>
      tpu.wait_indirect_dma semaphore(%arg9 : memref<!tpu.dma_semaphore, #tpu.memory_space<semaphore_mem>>) src(%arg7 : memref<125x128xf32, #tpu.memory_space<vmem>>) dst(%dma_wait3A_137 : memref<10240x128xf32, #tpu.memory_space<vmem_shared>>)
    }
    %scan3A_9 = arith.constant 10 : i32
    %barrier3A_10 = arith.constant 0 : index
    tpu.barrier barrier_id(%barrier3A_10)
    "tpu.region"() ({
      %run_scoped3A_11 = tpu.sem_alloc : memref<!tpu.dma_semaphore, #tpu.memory_space<semaphore_mem>>
      %dma_start3A = arith.constant 0 : i32
      %dma_start3A_12 = tpu.memref_slice %arg5[%arg0, %mul3A_2, %dma_start3A] : memref<2x10240x128xf32, #tpu.memory_space<hbm>> -> memref<1x640x128xf32, #tpu.memory_space<hbm>>
      %dma_start3A_13 = tpu.memref_squeeze %dma_start3A_12 : memref<1x640x128xf32, #tpu.memory_space<hbm>> -> memref<640x128xf32, #tpu.memory_space<hbm>>
      %dma_start3A_14 = arith.constant 0 : i32
      %dma_start3A_15 = tpu.memref_slice %arg8[%mul3A_2, %dma_start3A_14] : memref<10240x128xf32, #tpu.memory_space<vmem_shared>> -> memref<640x128xf32, #tpu.memory_space<vmem_shared>>
      tpu.enqueue_dma source(%dma_start3A_15 : memref<640x128xf32, #tpu.memory_space<vmem_shared>>) target(%dma_start3A_13 : memref<640x128xf32, #tpu.memory_space<hbm>>) target_semaphore(%run_scoped3A_11 : memref<!tpu.dma_semaphore, #tpu.memory_space<semaphore_mem>>)
      %dma_wait3A = arith.constant 0 : i32
      %dma_wait3A_16 = tpu.memref_slice %arg5[%arg0, %mul3A_2, %dma_wait3A] : memref<2x10240x128xf32, #tpu.memory_space<hbm>> -> memref<1x640x128xf32, #tpu.memory_space<hbm>>
      %dma_wait3A_17 = tpu.memref_squeeze %dma_wait3A_16 : memref<1x640x128xf32, #tpu.memory_space<hbm>> -> memref<640x128xf32, #tpu.memory_space<hbm>>
      %dma_wait3A_18 = arith.constant 0 : i32
      %dma_wait3A_19 = tpu.memref_slice %arg8[%mul3A_2, %dma_wait3A_18] : memref<10240x128xf32, #tpu.memory_space<vmem_shared>> -> memref<640x128xf32, #tpu.memory_space<vmem_shared>>
      tpu.wait_dma2 semaphore(%run_scoped3A_11 : memref<!tpu.dma_semaphore, #tpu.memory_space<semaphore_mem>>) src(%dma_wait3A_19 : memref<640x128xf32, #tpu.memory_space<vmem_shared>>) dst(%dma_wait3A_17 : memref<640x128xf32, #tpu.memory_space<hbm>>)
      tpu.yield
    }) : () -> ()
    return
  }
}

module attributes {stable_mosaic.version = 14 : i64} {
  func.func @_pre_body(%arg0: i32, %arg1: memref<2000x128xf32, #tpu.memory_space<vmem>>, %arg2: memref<128x128xf32, #tpu.memory_space<vmem>>, %arg3: memref<1x128xf32, #tpu.memory_space<vmem>>, %arg4: memref<1x128xf32, #tpu.memory_space<vmem>>, %arg5: memref<1x128xf32, #tpu.memory_space<vmem>>, %arg6: memref<1x128xf32, #tpu.memory_space<vmem>>, %arg7: memref<2000x128xf32, #tpu.memory_space<vmem>>) attributes {dimension_semantics = [#tpu.dimension_semantics<arbitrary>], iteration_bounds = array<i64: 5>, scalar_prefetch = 0 : i64, scratch_operands = 0 : i64, tpu.core_type = #tpu.core_type<tc>, window_params = [{transform_indices = @transform_0, window_bounds = array<i64: 2000, 128>}, {pipeline_mode = #tpu.pipeline_mode<synchronous>, transform_indices = @transform_1, window_bounds = array<i64: 128, 128>}, {pipeline_mode = #tpu.pipeline_mode<synchronous>, transform_indices = @transform_2, window_bounds = array<i64: 1, 128>}, {pipeline_mode = #tpu.pipeline_mode<synchronous>, transform_indices = @transform_3, window_bounds = array<i64: 1, 128>}, {pipeline_mode = #tpu.pipeline_mode<synchronous>, transform_indices = @transform_4, window_bounds = array<i64: 1, 128>}, {pipeline_mode = #tpu.pipeline_mode<synchronous>, transform_indices = @transform_5, window_bounds = array<i64: 1, 128>}, {transform_indices = @transform_6, window_bounds = array<i64: 2000, 128>}]} {
    %get3A = arith.constant 0 : index
    %get3A_0 = arith.constant 0 : index
    %get3A_1 = vector.load %arg1[%get3A, %get3A_0] : memref<2000x128xf32, #tpu.memory_space<vmem>>, vector<2000x128xf32>
    %get3A_2 = arith.constant 0 : index
    %get3A_3 = arith.constant 0 : index
    %get3A_4 = vector.load %arg2[%get3A_2, %get3A_3] : memref<128x128xf32, #tpu.memory_space<vmem>>, vector<128x128xf32>
    %dot_general3A = arith.constant dense<0.000000e+00> : vector<2000x128xf32>
    %dot_general3A_5 = tpu.matmul %get3A_1, %get3A_4, %dot_general3A {dimension_numbers = #tpu.dot_dimension_numbers<[1], [0], [0], [1], [0, 0, 1, 1], [], []>, transpose_lhs_hint = false} : vector<2000x128xf32>, vector<128x128xf32>, vector<2000x128xf32> -> vector<2000x128xf32>
    %get3A_6 = arith.constant 0 : index
    %get3A_7 = arith.constant 0 : index
    %get3A_8 = vector.load %arg5[%get3A_6, %get3A_7] : memref<1x128xf32, #tpu.memory_space<vmem>>, vector<1x128xf32>
    %sub3A = vector.broadcast %get3A_8 : vector<1x128xf32> to vector<2000x128xf32>
    %sub3A_9 = arith.subf %dot_general3A_5, %sub3A : vector<2000x128xf32>
    %get3A_10 = arith.constant 0 : index
    %get3A_11 = arith.constant 0 : index
    %get3A_12 = vector.load %arg3[%get3A_10, %get3A_11] : memref<1x128xf32, #tpu.memory_space<vmem>>, vector<1x128xf32>
    %get3A_13 = arith.constant 0 : index
    %get3A_14 = arith.constant 0 : index
    %get3A_15 = vector.load %arg6[%get3A_13, %get3A_14] : memref<1x128xf32, #tpu.memory_space<vmem>>, vector<1x128xf32>
    %add3A = arith.constant 9.99999974E-6 : f32
    %add3A_16 = vector.broadcast %add3A : f32 to vector<1x128xf32>
    %add3A_17 = arith.addf %get3A_15, %add3A_16 : vector<1x128xf32>
    %rsqrt3A = math.rsqrt %add3A_17 : vector<1x128xf32>
    %mul3A = arith.mulf %get3A_12, %rsqrt3A : vector<1x128xf32>
    %mul3A_18 = vector.broadcast %mul3A : vector<1x128xf32> to vector<2000x128xf32>
    %mul3A_19 = arith.mulf %sub3A_9, %mul3A_18 : vector<2000x128xf32>
    %get3A_20 = arith.constant 0 : index
    %get3A_21 = arith.constant 0 : index
    %get3A_22 = vector.load %arg4[%get3A_20, %get3A_21] : memref<1x128xf32, #tpu.memory_space<vmem>>, vector<1x128xf32>
    %add3A_23 = vector.broadcast %get3A_22 : vector<1x128xf32> to vector<2000x128xf32>
    %add3A_24 = arith.addf %mul3A_19, %add3A_23 : vector<2000x128xf32>
    %max3A = arith.constant 0.000000e+00 : f32
    %max3A_25 = vector.broadcast %max3A : f32 to vector<2000x128xf32>
    %max3A_26 = arith.maximumf %add3A_24, %max3A_25 : vector<2000x128xf32>
    %swap3A = arith.constant 0 : index
    %swap3A_27 = arith.constant 0 : index
    %swap3A_28 = vector.load %arg7[%swap3A, %swap3A_27] : memref<2000x128xf32, #tpu.memory_space<vmem>>, vector<2000x128xf32>
    tpu.vector_store %arg7[%swap3A, %swap3A_27], %max3A_26 {strides = array<i32>} : memref<2000x128xf32, #tpu.memory_space<vmem>>, vector<2000x128xf32>,
    return
  }
  func.func @transform_0(%arg0: i32) -> (i32, i32) {
    %c0_i32 = arith.constant 0 : i32
    %c0_i32_0 = arith.constant 0 : i32
    return %arg0, %c0_i32 : i32, i32
  }
  func.func @transform_1(%arg0: i32) -> (i32, i32) {
    %c0_i32 = arith.constant 0 : i32
    %c0_i32_0 = arith.constant 0 : i32
    %c0_i32_1 = arith.constant 0 : i32
    return %c0_i32, %c0_i32_0 : i32, i32
  }
  func.func @transform_2(%arg0: i32) -> (i32, i32) {
    %c0_i32 = arith.constant 0 : i32
    %c0_i32_0 = arith.constant 0 : i32
    %c0_i32_1 = arith.constant 0 : i32
    return %c0_i32, %c0_i32_0 : i32, i32
  }
  func.func @transform_3(%arg0: i32) -> (i32, i32) {
    %c0_i32 = arith.constant 0 : i32
    %c0_i32_0 = arith.constant 0 : i32
    %c0_i32_1 = arith.constant 0 : i32
    return %c0_i32, %c0_i32_0 : i32, i32
  }
  func.func @transform_4(%arg0: i32) -> (i32, i32) {
    %c0_i32 = arith.constant 0 : i32
    %c0_i32_0 = arith.constant 0 : i32
    %c0_i32_1 = arith.constant 0 : i32
    return %c0_i32, %c0_i32_0 : i32, i32
  }
  func.func @transform_5(%arg0: i32) -> (i32, i32) {
    %c0_i32 = arith.constant 0 : i32
    %c0_i32_0 = arith.constant 0 : i32
    %c0_i32_1 = arith.constant 0 : i32
    return %c0_i32, %c0_i32_0 : i32, i32
  }
  func.func @transform_6(%arg0: i32) -> (i32, i32) {
    %c0_i32 = arith.constant 0 : i32
    %c0_i32_0 = arith.constant 0 : i32
    return %arg0, %c0_i32 : i32, i32
  }
}

module attributes {stable_mosaic.version = 14 : i64} {
  func.func @_scale_body(%arg0: i32, %arg1: memref<2000x128xf32, #tpu.memory_space<vmem>>, %arg2: memref<2x2000x128xf32, #tpu.memory_space<vmem>>, %arg3: memref<2000x128xf32, #tpu.memory_space<vmem>>, %arg4: memref<2000x1xf32, #tpu.memory_space<vmem>>) attributes {dimension_semantics = [#tpu.dimension_semantics<arbitrary>], iteration_bounds = array<i64: 5>, scalar_prefetch = 0 : i64, scratch_operands = 0 : i64, tpu.core_type = #tpu.core_type<tc>, window_params = [{transform_indices = @transform_0, window_bounds = array<i64: 2000, 128>}, {transform_indices = @transform_1, window_bounds = array<i64: 2, 2000, 128>}, {transform_indices = @transform_2, window_bounds = array<i64: 2000, 128>}, {transform_indices = @transform_3, window_bounds = array<i64: 2000, 1>}]} {
    %get3A = arith.constant 0 : index
    %get3A_0 = arith.constant 0 : index
    %get3A_1 = arith.constant 0 : index
    %get3A_2 = vector.load %arg2[%get3A, %get3A_0, %get3A_1] : memref<2x2000x128xf32, #tpu.memory_space<vmem>>, vector<1x2000x1xf32>
    %get3A_3 = vector.shape_cast %get3A_2 : vector<1x2000x1xf32> to vector<2000xf32>
    %get3A_4 = arith.constant 1 : index
    %get3A_5 = arith.constant 0 : index
    %get3A_6 = arith.constant 0 : index
    %get3A_7 = vector.load %arg2[%get3A_4, %get3A_5, %get3A_6] : memref<2x2000x128xf32, #tpu.memory_space<vmem>>, vector<1x2000x1xf32>
    %get3A_8 = vector.shape_cast %get3A_7 : vector<1x2000x1xf32> to vector<2000xf32>
    %add3A = arith.addf %get3A_3, %get3A_8 : vector<2000xf32>
    %add3A_9 = arith.constant 1.000000e+00 : f32
    %add3A_10 = vector.broadcast %add3A_9 : f32 to vector<2000xf32>
    %add3A_11 = arith.addf %add3A, %add3A_10 : vector<2000xf32>
    %max3A = arith.constant 1.000000e+00 : f32
    %max3A_12 = vector.broadcast %max3A : f32 to vector<2000xf32>
    %max3A_13 = arith.maximumf %add3A_11, %max3A_12 : vector<2000xf32>
    %rsqrt3A = math.rsqrt %max3A_13 : vector<2000xf32>
    %get3A_14 = arith.constant 0 : index
    %get3A_15 = arith.constant 0 : index
    %get3A_16 = vector.load %arg1[%get3A_14, %get3A_15] : memref<2000x128xf32, #tpu.memory_space<vmem>>, vector<2000x128xf32>
    %broadcast_in_dim3A = vector.shape_cast %rsqrt3A : vector<2000xf32> to vector<2000x1xf32>
    %mul3A = vector.broadcast %broadcast_in_dim3A : vector<2000x1xf32> to vector<2000x128xf32>
    %mul3A_17 = arith.mulf %get3A_16, %mul3A : vector<2000x128xf32>
    %swap3A = arith.constant 0 : index
    %swap3A_18 = arith.constant 0 : index
    %swap3A_19 = vector.load %arg3[%swap3A, %swap3A_18] : memref<2000x128xf32, #tpu.memory_space<vmem>>, vector<2000x128xf32>
    tpu.vector_store %arg3[%swap3A, %swap3A_18], %mul3A_17 {strides = array<i32>} : memref<2000x128xf32, #tpu.memory_space<vmem>>, vector<2000x128xf32>,
    %broadcast_in_dim3A_20 = vector.shape_cast %rsqrt3A : vector<2000xf32> to vector<2000x1xf32>
    %swap3A_21 = arith.constant 0 : index
    %swap3A_22 = arith.constant 0 : index
    %swap3A_23 = vector.load %arg4[%swap3A_21, %swap3A_22] : memref<2000x1xf32, #tpu.memory_space<vmem>>, vector<2000x1xf32>
    tpu.vector_store %arg4[%swap3A_21, %swap3A_22], %broadcast_in_dim3A_20 {strides = array<i32>} : memref<2000x1xf32, #tpu.memory_space<vmem>>, vector<2000x1xf32>,
    return
  }
  func.func @transform_0(%arg0: i32) -> (i32, i32) {
    %c0_i32 = arith.constant 0 : i32
    %c0_i32_0 = arith.constant 0 : i32
    return %arg0, %c0_i32 : i32, i32
  }
  func.func @transform_1(%arg0: i32) -> (i32, i32, i32) {
    %c0_i32 = arith.constant 0 : i32
    %c0_i32_0 = arith.constant 0 : i32
    %c0_i32_1 = arith.constant 0 : i32
    return %c0_i32, %arg0, %c0_i32_0 : i32, i32, i32
  }
  func.func @transform_2(%arg0: i32) -> (i32, i32) {
    %c0_i32 = arith.constant 0 : i32
    %c0_i32_0 = arith.constant 0 : i32
    return %arg0, %c0_i32 : i32, i32
  }
  func.func @transform_3(%arg0: i32) -> (i32, i32) {
    %c0_i32 = arith.constant 0 : i32
    %c0_i32_0 = arith.constant 0 : i32
    return %arg0, %c0_i32 : i32, i32
  }
}

module attributes {stable_mosaic.version = 14 : i64} {
  func.func @_out_body(%arg0: i32, %arg1: memref<2x2000x128xf32, #tpu.memory_space<vmem>>, %arg2: memref<2000x128xf32, #tpu.memory_space<vmem>>, %arg3: memref<2000x128xf32, #tpu.memory_space<vmem>>, %arg4: memref<2000x1xf32, #tpu.memory_space<vmem>>, %arg5: memref<128x128xf32, #tpu.memory_space<vmem>>, %arg6: memref<2000x128xf32, #tpu.memory_space<vmem>>) attributes {dimension_semantics = [#tpu.dimension_semantics<arbitrary>], iteration_bounds = array<i64: 5>, scalar_prefetch = 0 : i64, scratch_operands = 0 : i64, tpu.core_type = #tpu.core_type<tc>, window_params = [{transform_indices = @transform_0, window_bounds = array<i64: 2, 2000, 128>}, {transform_indices = @transform_1, window_bounds = array<i64: 2000, 128>}, {transform_indices = @transform_2, window_bounds = array<i64: 2000, 128>}, {transform_indices = @transform_3, window_bounds = array<i64: 2000, 1>}, {pipeline_mode = #tpu.pipeline_mode<synchronous>, transform_indices = @transform_4, window_bounds = array<i64: 128, 128>}, {transform_indices = @transform_5, window_bounds = array<i64: 2000, 128>}]} {
    %get3A = arith.constant 0 : index
    %get3A_0 = arith.constant 0 : index
    %get3A_1 = vector.load %arg4[%get3A, %get3A_0] : memref<2000x1xf32, #tpu.memory_space<vmem>>, vector<2000x1xf32>
    %get3A_2 = arith.constant 0 : index
    %get3A_3 = arith.constant 0 : index
    %get3A_4 = arith.constant 0 : index
    %get3A_5 = vector.load %arg1[%get3A_2, %get3A_3, %get3A_4] : memref<2x2000x128xf32, #tpu.memory_space<vmem>>, vector<1x2000x128xf32>
    %get3A_6 = vector.shape_cast %get3A_5 : vector<1x2000x128xf32> to vector<2000x128xf32>
    %get3A_7 = arith.constant 1 : index
    %get3A_8 = arith.constant 0 : index
    %get3A_9 = arith.constant 0 : index
    %get3A_10 = vector.load %arg1[%get3A_7, %get3A_8, %get3A_9] : memref<2x2000x128xf32, #tpu.memory_space<vmem>>, vector<1x2000x128xf32>
    %get3A_11 = vector.shape_cast %get3A_10 : vector<1x2000x128xf32> to vector<2000x128xf32>
    %add3A = arith.addf %get3A_6, %get3A_11 : vector<2000x128xf32>
    %get3A_12 = arith.constant 0 : index
    %get3A_13 = arith.constant 0 : index
    %get3A_14 = vector.load %arg2[%get3A_12, %get3A_13] : memref<2000x128xf32, #tpu.memory_space<vmem>>, vector<2000x128xf32>
    %add3A_15 = arith.addf %add3A, %get3A_14 : vector<2000x128xf32>
    %mul3A = vector.broadcast %get3A_1 : vector<2000x1xf32> to vector<2000x128xf32>
    %mul3A_16 = arith.mulf %add3A_15, %mul3A : vector<2000x128xf32>
    %mul3A_17 = arith.constant 0.899999976 : f32
    %mul3A_18 = vector.broadcast %mul3A_17 : f32 to vector<2000x128xf32>
    %mul3A_19 = arith.mulf %mul3A_18, %mul3A_16 : vector<2000x128xf32>
    %get3A_20 = arith.constant 0 : index
    %get3A_21 = arith.constant 0 : index
    %get3A_22 = vector.load %arg3[%get3A_20, %get3A_21] : memref<2000x128xf32, #tpu.memory_space<vmem>>, vector<2000x128xf32>
    %mul3A_23 = arith.constant 1.000000e-01 : f32
    %mul3A_24 = vector.broadcast %mul3A_23 : f32 to vector<2000x128xf32>
    %mul3A_25 = arith.mulf %mul3A_24, %get3A_22 : vector<2000x128xf32>
    %add3A_26 = arith.addf %mul3A_19, %mul3A_25 : vector<2000x128xf32>
    %mul3A_27 = arith.constant 0.594534874 : f32
    %mul3A_28 = vector.broadcast %mul3A_27 : f32 to vector<2000x128xf32>
    %mul3A_29 = arith.mulf %mul3A_28, %add3A_26 : vector<2000x128xf32>
    %get3A_30 = arith.constant 0 : index
    %get3A_31 = arith.constant 0 : index
    %get3A_32 = vector.load %arg5[%get3A_30, %get3A_31] : memref<128x128xf32, #tpu.memory_space<vmem>>, vector<128x128xf32>
    %dot_general3A = arith.constant dense<0.000000e+00> : vector<2000x128xf32>
    %dot_general3A_33 = tpu.matmul %add3A_26, %get3A_32, %dot_general3A {dimension_numbers = #tpu.dot_dimension_numbers<[1], [0], [0], [1], [0, 0, 1, 1], [], []>, transpose_lhs_hint = false} : vector<2000x128xf32>, vector<128x128xf32>, vector<2000x128xf32> -> vector<2000x128xf32>
    %mul3A_34 = arith.constant 0.405465096 : f32
    %mul3A_35 = vector.broadcast %mul3A_34 : f32 to vector<2000x128xf32>
    %mul3A_36 = arith.mulf %mul3A_35, %dot_general3A_33 : vector<2000x128xf32>
    %add3A_37 = arith.addf %mul3A_29, %mul3A_36 : vector<2000x128xf32>
    %max3A = arith.constant 0.000000e+00 : f32
    %max3A_38 = vector.broadcast %max3A : f32 to vector<2000x128xf32>
    %max3A_39 = arith.maximumf %add3A_37, %max3A_38 : vector<2000x128xf32>
    %swap3A = arith.constant 0 : index
    %swap3A_40 = arith.constant 0 : index
    %swap3A_41 = vector.load %arg6[%swap3A, %swap3A_40] : memref<2000x128xf32, #tpu.memory_space<vmem>>, vector<2000x128xf32>
    tpu.vector_store %arg6[%swap3A, %swap3A_40], %max3A_39 {strides = array<i32>} : memref<2000x128xf32, #tpu.memory_space<vmem>>, vector<2000x128xf32>,
    return
  }
  func.func @transform_0(%arg0: i32) -> (i32, i32, i32) {
    %c0_i32 = arith.constant 0 : i32
    %c0_i32_0 = arith.constant 0 : i32
    %c0_i32_1 = arith.constant 0 : i32
    return %c0_i32, %arg0, %c0_i32_0 : i32, i32, i32
  }
  func.func @transform_1(%arg0: i32) -> (i32, i32) {
    %c0_i32 = arith.constant 0 : i32
    %c0_i32_0 = arith.constant 0 : i32
    return %arg0, %c0_i32 : i32, i32
  }
  func.func @transform_2(%arg0: i32) -> (i32, i32) {
    %c0_i32 = arith.constant 0 : i32
    %c0_i32_0 = arith.constant 0 : i32
    return %arg0, %c0_i32 : i32, i32
  }
  func.func @transform_3(%arg0: i32) -> (i32, i32) {
    %c0_i32 = arith.constant 0 : i32
    %c0_i32_0 = arith.constant 0 : i32
    return %arg0, %c0_i32 : i32, i32
  }
  func.func @transform_4(%arg0: i32) -> (i32, i32) {
    %c0_i32 = arith.constant 0 : i32
    %c0_i32_0 = arith.constant 0 : i32
    %c0_i32_1 = arith.constant 0 : i32
    return %c0_i32, %c0_i32_0 : i32, i32
  }
  func.func @transform_5(%arg0: i32) -> (i32, i32) {
    %c0_i32 = arith.constant 0 : i32
    %c0_i32_0 = arith.constant 0 : i32
    return %arg0, %c0_i32 : i32, i32
  }
}

</mosaic_0001>

<sc_bundles>
// kernel: kernel.10.cloned.1.call-start
scs
__scs_entry_jumppad:
0x0: {  	(pc) =	sbr.rel $0x88, $3  }
0x1: {  	(tag) =	ssettag $0x0;
	lr =	simm.s32 $0x1  }
0x2: {  	[smem:$0x3F98] =	sst lr;
	_ =	strace $0xD0000000  }
0x3: {  	_ = 	snop  }
0x4: {  	_ = 	snop  }
0x5: {  	_ = 	snop  }
0x6: {  	_ = 	snop  }
0x7: {  	_ = 	snop  }
__scs_overlays_trampoline_lowered:
0x8: {  	[smem:$0x3FA7] =	sst s0  }
0x9: {  	[smem:$0x3FA8] =	sst s1  }
0xa: {  	[smem:$0x3FA9] =	sst s2  }
0xb: {  	[smem:$0x3FAA] =	sst s3  }
0xc: {  	[smem:$0x3FAB] =	sst s4  }
0xd: {  	[smem:$0x3FAC] =	sst s5  }
0xe: {  	[smem:$0x3FAD] =	sst s6  }
0xf: {  	[smem:$0x3FAE] =	sst s7  }
0x10: {  	[smem:$0x3FAF] =	sst s8  }
0x11: {  	[smem:$0x3FB0] =	sst s9;
	s0 =	simm.s32 @!p0 $0x0  }
0x12: {  	s1 =	sld [smem:$0x3F96];
	s0 =	simm.s32 @p0 $0x1  }
0x13: {  	[smem:$0x3FB1] =	sst s0;
	s0 =	simm.s32 @!p1 $0x0  }
0x14: {  	s2 =	sld [smem:$0x3F95];
	s0 =	simm.s32 @p1 $0x1  }
0x15: {  	[smem:$0x3FB2] =	sst s0;
	s0 =	simm.s32 @!p2 $0x0  }
0x16: {  	s3 =	sld [smem:$0x3FDB];
	s0 =	simm.s32 @p2 $0x1  }
0x17: {  	s4 =	simm.s32 $0x1BF5;
	[smem:$0x3FB4] =	sst s0  }
0x18: {  	s0 =	sld [smem:$0x3F97];
	_ =	swait.ge [sflag:s4], $0x0  }
0x19: {  	s7 =	sld [smem:$0x3F98]  }
0x1a: {  	s8 =	sadd.s32 $0xFFFFE003, lr  }
0x1b: {  	s9 =	sadd.s32 $0xFFFFFEF7, lr;
	s5 =	simm.s32 $0xFFFFFFFF;
	p2 =	slt.u32 s8, $0xFFFFF086  }
0x1c: {  	p1 =	slt.u32 s9, $0xF7A;
	s5 =	simm.s32 @!p2 $0x0  }
0x1d: {  	s5 =	simm.s32 @p1 $0x1;
	p0 =	seq.s32 s7, s2  }
0x1e: {  	s7 =	smul.u32 @!p0 $0xF7A, s2;
	p2 =	seq.s32 @!p0 s5, $0x0  }
0x1f: {  	s9 =	smul.u32 $0xF7A, s1;
	s8 =	simm.s32 @!p0 $0x1BF5;
	p2 =	por !p2, p0  }
0x20: {  	[sflag:s8] =	ssyncset.s32 @!p0 $0xFFFFF086;
	s6 =	sadd.s32 @!p0 s3, s7;
	s7 =	simm.s32 @!p0 $0x108  }
0x21: {  	s3 =	sadd.s32 s3, s9;
	s6 =	sadd.s32 @!p0 $0x88, s6;
	s7 =	simm.s32 @p2 $0x1082  }
0x22: {  	[simem:s7], [sflag:s8] =	dma.local @!p0 [hbm:s6], $0xF7A  }
0x23: {  	s9 =	sor.u32 $0xD0000000, s2;
	s6 =	simm.s32 $0x108;
	_ =	swait.ge @!p0 [sflag:s8], $0x0  }
0x24: {  	s3 =	sadd.s32 $0x88, s3;
	s6 =	simm.s32 @!p1 $0x1082;
	[sflag:s4] =	ssyncset.s32 $0xFFFFF086  }
0x25: {  	[simem:s6], [sflag:s4] =	dma.local [hbm:s3], $0xF7A  }
0x26: {  	[smem:$0x3F98] =	sst s1;
	(tag) =	ssettag s2;
	_ =	strace s9  }
0x27: {  	s1 =	sld [smem:$0x3FA8]  }
0x28: {  	s2 =	sld [smem:$0x3FA9]  }
0x29: {  	s4 =	sld [smem:$0x3FAB]  }
0x2a: {  	p0 =	seq.s32 s5, $0x0;
	s5 =	sld [smem:$0x3FAC]  }
0x2b: {  	s6 =	sld [smem:$0x3FAD]  }
0x2c: {  	s7 =	sld [smem:$0x3FAE]  }
0x2d: {  	s3 =	simm.s32 $0x108;
	s8 =	sld [smem:$0x3FAF]  }
0x2e: {  	s3 =	simm.s32 @!p0 $0x1082;
	s9 =	sld [smem:$0x3FB0]  }
0x2f: {  	lr =	sadd.s32 s0, s3;
	s0 =	sld [smem:$0x3FA7]  }
0x30: {  	s3 =	sld [smem:$0x3FAA]  }
0x31: {  	[smem:$0x3FB3] =	sst s10  }
0x32: {  	s10 =	sld [smem:$0x3FB1];
	_ =	sdelay $0x3  }
0x33: {  	p0 =	seq.s32 s10, $0x1;
	s10 =	sld [smem:$0x3FB3];
	_ =	sdelay $0x3  }
0x34: {  	[smem:$0x3FB3] =	sst s10  }
0x35: {  	s10 =	sld [smem:$0x3FB2];
	_ =	sdelay $0x3  }
0x36: {  	p1 =	seq.s32 s10, $0x1;
	s10 =	sld [smem:$0x3FB3];
	_ =	sdelay $0x3  }
0x37: {  	[smem:$0x3FB3] =	sst s10  }
0x38: {  	s10 =	sld [smem:$0x3FB4]  }
0x39: {  	_ = 	snop;
	(pc) =	sbr.ind lr, $3  }
0x3a: {  	_ = 	snop  }
0x3b: {  	_ = 	snop  }
0x3c: {  	p2 =	seq.s32 s10, $0x1;
	s10 =	sld [smem:$0x3FB3]  }
0x3d: {  	_ =	shalt  }
0x3e: {  	_ =	shalt  }
0x3f: {  	_ =	shalt  }
0x40: {  	_ =	shalt  }
0x41: {  	_ =	shalt  }
0x42: {  	_ =	shalt  }
0x43: {  	_ =	shalt  }
0x44: {  	_ =	shalt  }
0x45: {  	_ =	shalt  }
0x46: {  	_ =	shalt  }
0x47: {  	_ =	shalt  }
0x48: {  	_ =	shalt  }
0x49: {  	_ =	shalt  }
0x4a: {  	_ =	shalt  }
0x4b: {  	_ =	shalt  }
0x4c: {  	_ =	shalt  }
0x4d: {  	_ =	shalt  }
0x4e: {  	_ =	shalt  }
0x4f: {  	_ =	shalt  }
0x50: {  	_ =	shalt  }
0x51: {  	_ =	shalt  }
0x52: {  	_ =	shalt  }
0x53: {  	_ =	shalt  }
0x54: {  	_ =	shalt  }
0x55: {  	_ =	shalt  }
0x56: {  	_ =	shalt  }
0x57: {  	_ =	shalt  }
0x58: {  	_ =	shalt  }
0x59: {  	_ =	shalt  }
0x5a: {  	_ =	shalt  }
0x5b: {  	_ =	shalt  }
0x5c: {  	_ =	shalt  }
0x5d: {  	_ =	shalt  }
0x5e: {  	_ =	shalt  }
0x5f: {  	_ =	shalt  }
0x60: {  	_ =	shalt  }
0x61: {  	_ =	shalt  }
0x62: {  	_ =	shalt  }
0x63: {  	_ =	shalt  }
0x64: {  	_ =	shalt  }
0x65: {  	_ =	shalt  }
0x66: {  	_ =	shalt  }
0x67: {  	_ =	shalt  }
0x68: {  	_ =	shalt  }
0x69: {  	_ =	shalt  }
0x6a: {  	_ =	shalt  }
0x6b: {  	_ =	shalt  }
0x6c: {  	_ =	shalt  }
0x6d: {  	_ =	shalt  }
0x6e: {  	_ =	shalt  }
0x6f: {  	_ =	shalt  }
0x70: {  	_ =	shalt  }
0x71: {  	_ =	shalt  }
0x72: {  	_ =	shalt  }
0x73: {  	_ =	shalt  }
0x74: {  	_ =	shalt  }
0x75: {  	_ =	shalt  }
0x76: {  	_ =	shalt  }
0x77: {  	_ =	shalt  }
0x78: {  	_ =	shalt  }
0x79: {  	_ =	shalt  }
0x7a: {  	_ =	shalt  }
0x7b: {  	_ =	shalt  }
0x7c: {  	_ =	shalt  }
0x7d: {  	_ =	shalt  }
0x7e: {  	_ =	shalt  }
0x7f: {  	_ =	shalt  }
0x80: {  	_ =	shalt  }
0x81: {  	_ =	shalt  }
0x82: {  	_ =	shalt  }
0x83: {  	_ =	shalt  }
0x84: {  	_ =	shalt  }
0x85: {  	_ =	shalt  }
0x86: {  	_ =	shalt  }
0x87: {  	_ =	shalt  }
.Lfunc_end0:
.L_simem_size_0:
called_computation.1_lowered:
.L_overlay_start_0:
0x88: {  	s2 =	sld [smem:$0x3FD9]  }
0x89: {  	s3 =	sld [smem:$0x3FFE];
	_ =	sdelay $0x1  }
0x8a: {  	s1 =	srdreg.scid  }
0x8b: {  	s0 =	sand.u32 $0x1, s1  }
0x8c: {  	s17 =	sshll.u32 s0, $0xA;
	s2 =	sadd.s32 s3, s2  }
0x8d: {  	s2 =	sadd.s32 s2, s17  }
0x8e: {  	[smem:$0x3FBF] =	sst s2  }
0x8f: {  	_ = 	snop  }
0x90: {  	s2 =	sld [smem:$0x3FD0];
	(tm) =	ssettm $0x1  }
0x91: {  	s18 =	sld [smem:$0x3FFB];
	_ =	sdelay $0x3  }
0x92: {  	_ =	strace s18  }
0x93: {  	s3 =	sld [smem:$0x3FFC];
	_ =	sdelay $0x3  }
0x94: {  	_ =	strace s3  }
0x95: {  	s3 =	sld [smem:$0x3FFD];
	_ =	sdelay $0x3  }
0x96: {  	_ =	strace s3  }
0x97: {  	_ =	strace $0x8FFFFFFF  }
0x98: {  	s19 =	sld [smem:$0x3FDB];
	_ =	sdelay $0x1  }
0x99: {  	s4 =	simm.s32 $_scs_section_size  }
0x9a: {  	s5 =	simm.s32 $_size__tile_overlayer_lowered;
	s6 =	simm.s32 $_tile_overlayer_lowered  }
0x9b: {  	s22 =	simm.s32 $0x1BFF;
	s21 =	sshll.u32 s6, $0x1;
	s3 =	sadd.s32 s4, s19  }
0x9c: {  	s7 =	simm.s32 $0x0;
	s20 =	sshll.u32 s5, $0x1;
	s5 =	sadd.s32 s21, s3  }
0x9d: {  	[timem:s7], [sflag:s22] =	dma.local [hbm:s5], s20  }
0x9e: {  	_ =	swait.ge [sflag:s22], s20  }
0x9f: {  	s4 =	ssub.s32 $0x0, s20;
	[sflag:s22] =	ssyncset.done $0x0  }
0xa0: {  	[sflag:s22] =	ssyncadd.s32 s4;
	_ =	sdelay $0x1  }
0xa1: {  	s23 =	simm.s32 $0x1B8B  }
0xa2: {  	_ =	swait.ge [sflag:s23], $0x1  }
0xa3: {  	[sflag:s23] =	ssyncset.done $0x0  }
0xa4: {  	s25 =	simm.s32 $0x1B8E;
	s24 =	sld [smem:$0x3FFE];
	[sflag:s23] =	ssyncadd.s32 $0xFFFFFFFF  }
0xa5: {  	s26 =	simm.s32 $execute0_lowered;
	[smem:$0x3FD2] =	sst s25  }
0xa6: {  	s5 =	sshll.u32 s26, $0x1;
	_ =	strace $0x80000049;
	[dreg:$0x1] =	wrdreg $0xFFFFFFFF  }
0xa7: {  	s28 =	simm.s32 $_size_execute0_lowered;
	s3 =	sadd.s32 s3, s5;
	[dreg:$0x0] =	wrdreg $0x0  }
0xa8: {  	s5 =	sshll.u32 s28, $0x1;
	[dreg:$0x2] =	wrdreg s3  }
0xa9: {  	[dreg:$0x3] =	wrdreg s5  }
0xaa: {  	[dreg:$0x4] =	wrdreg $0xC0  }
0xab: {  	_ =	task [dreg:s7], $0x5FFFF  }
0xac: {  	[dreg:$0x1] =	wrdreg $0xFFFFFFFF  }
0xad: {  	[dreg:$0x0] =	wrdreg $0x60  }
0xae: {  	[dreg:$0x2] =	wrdreg s24  }
0xaf: {  	[dreg:$0x3] =	wrdreg s2  }
0xb0: {  	[dreg:$0x4] =	wrdreg $0x88000  }
0xb1: {  	[dreg:$0x5] =	wrdreg $0x9  }
0xb2: {  	_ =	task.clear_ibuf [dreg:s7], $0x6FFFF;
	_ =	strace $0x90000049  }
0xb3: {  	s29 =	simm.s32 $0x9;
	_ =	strace $0x8000004B  }
0xb4: {  	_ =	swait.ge [sflag:s29], $0x1  }
0xb5: {  	[sflag:s29] =	ssyncadd.s32 $0xFFFFFFFF  }
0xb6: {  	_ =	strace $0x9000004B  }
0xb7: {  	_ =	sfence  }
0xb8: {  	s30 =	sld [smem:$0x0];
	_ =	sdelay $0x2  }
0xb9: {  	s31 =	sshll.u32 s1, $0xD;
	s1 =	sshrl.u32 s1, $0x2  }
0xba: {  	s3 =	sand.u32 $0x4000, s31;
	s1 =	sadd.s32 s1, s30  }
0xbb: {  	s0 =	sor.u32 s3, s0;
	s1 =	sshll.u32 s1, $0x11  }
0xbc: {  	s0 =	sor.u32 s1, s0  }
0xbd: {  	s0 =	sadd.s32 $0x8F2B, s0  }
0xbe: {  	[sflag:s0] =	ssyncadd.remote.s32 $0x1  }
0xbf: {  	_ =	sfence.sel $0xFFFF  }
0xc0: {  	[dreg:$0x0] =	wrdreg $0xFFFFFFFF;
	(pc) =	sbr.abs _section_cstart, $3  }
0xc1: {  	[dreg:$0x1] =	wrdreg $0xFFFFFFFF  }
0xc2: {  	_ =	task.clear_ibuf [dreg:s7], $0x2FFFF;
	_ =	strace $0x9FFFFFFF  }
0xc3: {  	(tm) =	ssettm $0x7FFFFFFF  }
tec
execute0_lowered:
.L_overlay_start_1:
0x0: {  	(tag) =	ssettag $0x1  }
0x1: {  	s0 =	rddreg [dreg:$0x0]  }
0x2: {  	s1 =	rddreg [dreg:$0x1];
	s2 =	srdreg.scid  }
0x3: {  	s3 =	rddreg [dreg:$0x2];
	s11 =	stileid.u32;
	s4 =	simm.s32 $0x0  }
0x4: {  	s12 =	simm.s32 $0x7D;
	s13 =	simm.s32 $0x800;
	s14 =	simm.s32 $0x1  }
0x5: {  	s15 =	simm.s32 $0x80;
	s16 =	simm.s32 $0x4800;
	s17 =	simm.s32 $0x2  }
0x6: {  	s18 =	simm.s32 $0x3;
	s19 =	simm.s32 $0x100;
	s20 =	simm.s32 $0x480  }
0x7: {  	s21 =	simm.s32 $0x4;
	s28 =	simm.s32 $0x600;
	s6 =	smul.u32 $0x14000, s11  }
0x8: {  	s29 =	simm.s32 $0x300;
	s30 =	simm.s32 $0x680;
	s22 =	smul.u32 $0x50000, s11  }
0x9: {  	s31 =	simm.s32 $0x380;
	s2 =	sand.u32 $0x1, s2;
	s10 =	smul.u32 $0x500, s11  }
0xa: {  	[smem:$0x7FF] =	sst s4;
	s25 =	sshll.u32 s11, $0x6;
	s5 =	smul.u32 $0x5000, s2  }
0xb: {  	s11 =	simm.s32 $0x400;
	s7 =	smul.u32 $0x140000, s2;
	s2 =	ssub.s32 $0x2, s2  }
0xc: {  	_ =	strace $0x8000004A;
	s8 =	sshrl.u32 s6, $0x3;
	s9 =	sshrl.u32 s2, $0x1  }
0xd: {  	s5 =	sadd.s32 s5, s0;
	s6 =	sadd.s32 s6, s7;
	s8 =	sadd.s32 s8, s0  }
0xe: {  	s7 =	sshrl.u32 s22, $0x2;
	s2 =	ssub.s32 s2, s9;
	s22 =	simm.s32 $0x180  }
0xf: {  	s6 =	sshrl.u32 s6, $0x3;
	s23 =	sadd.s32 s7, s3;
	s24 =	sadd.s32 $0x16A00, s8  }
0x10: {  	s5 =	sadd.s32 s10, s5;
	s7 =	sor.u32 $0x1C05, s25;
	s2 =	smax.u32 s2, $0x1  }
0x11: {  	s10 =	simm.s32 $0x5;
	s25 =	simm.s32 $0x580;
	[dreg:$0x5] =	wrdreg s24  }
0x12: {  	s0 =	sadd.s32 s6, s0;
	s26 =	sadd.s32 $0x2A00, s5;
	[dreg:$0x8] =	wrdreg s2  }
0x13: {  	s8 =	sshrl.u32 s23, $0x3;
	s23 =	simm.s32 $0x500;
	[dreg:$0x6] =	wrdreg s7  }
0x14: {  	s24 =	simm.s32 $0x200;
	s2 =	simm.s32 $0x780;
	[dreg:$0x4] =	wrdreg s26  }
0x15: {  	s5 =	simm.s32 $0x0;
	s0 =	sadd.s32 $0x3EA00, s0;
	[dreg:$0x9] =	wrdreg s8  }
0x16: {  	s26 =	simm.s32 $0x280;
	[dreg:$0x7] =	wrdreg s0;
	s0 =	simm.s32 $0x700  }
.LBB2_1:
0x17: {  	s6 =	rddreg [dreg:$0x5]  }
0x18: {  	[spmem:s8], [sflag:s7] =	dma.local [hbm:s6], $0x2800  }
0x19: {  	_ =	swait.ge [sflag:s10], $0x2800  }
0x1a: {  	[sflag:s10] =	ssyncset.done $0x0  }
0x1b: {  	[sflag:s10] =	ssyncadd.s32 $0xFFFFD800  }
0x1c: {  	[bflag:$0x0] =	sbarrier.arrive $0xFFFF  }
0x1d: {  	s9 =	rddreg [dreg:$0x4]  }
0x1e: {  	s6 =	sadd.s32 $0x0, s9  }
0x1f: {  	[tilespmem:s4], [sflag:$0x5] =	stream.linear.gather [hbm4b:s6+s4], $0x400, $0x38;
	[tilespmem:$0x1C800] =	vst v63  }
0x20: {  	_ =	swait.ge [sflag:s10], $0x400  }
0x21: {  	[sflag:s10] =	ssyncset.done $0x0  }
0x22: {  	s6 =	sadd.s32 $0xA000, s6;
	[sflag:s10] =	ssyncadd.s32 $0xFFFFFC00  }
0x23: {  	[tilespmem:s11], [sflag:$0x5] =	stream.linear.gather [hbm4b:s6+s4], $0x400, $0x38;
	[tilespmem:$0x1C800] =	vst v63  }
0x24: {  	_ =	swait.ge [sflag:s10], $0x400  }
0x25: {  	[sflag:s10] =	ssyncset.done $0x0  }
0x26: {  	[sflag:s10] =	ssyncadd.s32 $0xFFFFFC00  }
0x27: {  	[tilespmem:s13], [sflag:$0x1] =	stream.indirect.gather [hbm4b:s1+s12], $0x80, s4, s12, $0xb8;
	[tilespmem:$0x1C800] =	vst v63  }
0x28: {  	_ =	swait.ge [sflag:s14], $0x3E80  }
0x29: {  	[sflag:s14] =	ssyncset.done $0x0  }
0x2a: {  	[sflag:s14] =	ssyncadd.s32 $0xFFFFC180  }
0x2b: {  	[tilespmem:s16], [sflag:$0x2] =	stream.indirect.gather [hbm4b:s1+s12], $0x80, s15, s12, $0xb8;
	[tilespmem:$0x1C800] =	vst v63  }
0x2c: {  	_ = 	snop  }
0x2d: {  	[spmem:s3] =	stream.indirect.scatter.add.f32 [tilespmem:s13], [sflag:$0x3], $0x80, s11, s12, $0xb8;
	[tilespmem:$0x1C800] =	vst v63  }
0x2e: {  	_ =	swait.ge [sflag:s17], $0x3E80  }
0x2f: {  	[sflag:s17] =	ssyncset.done $0x0  }
0x30: {  	[sflag:s17] =	ssyncadd.s32 $0xFFFFC180  }
0x31: {  	_ =	swait.ge [sflag:s18], $0x3E80  }
0x32: {  	[sflag:s18] =	ssyncset.done $0x0  }
0x33: {  	[sflag:s18] =	ssyncadd.s32 $0xFFFFC180  }
0x34: {  	[tilespmem:s13], [sflag:$0x1] =	stream.indirect.gather [hbm4b:s1+s12], $0x80, s19, s12, $0xb8;
	[tilespmem:$0x1C800] =	vst v63  }
0x35: {  	_ = 	snop  }
0x36: {  	[spmem:s3] =	stream.indirect.scatter.add.f32 [tilespmem:s16], [sflag:$0x4], $0x80, s20, s12, $0xb8;
	[tilespmem:$0x1C800] =	vst v63  }
0x37: {  	_ =	swait.ge [sflag:s14], $0x3E80  }
0x38: {  	[sflag:s14] =	ssyncset.done $0x0  }
0x39: {  	[sflag:s14] =	ssyncadd.s32 $0xFFFFC180  }
0x3a: {  	_ =	swait.ge [sflag:s21], $0x3E80  }
0x3b: {  	[sflag:s21] =	ssyncset.done $0x0  }
0x3c: {  	[sflag:s21] =	ssyncadd.s32 $0xFFFFC180  }
0x3d: {  	[tilespmem:s16], [sflag:$0x2] =	stream.indirect.gather [hbm4b:s1+s12], $0x80, s22, s12, $0xb8;
	[tilespmem:$0x1C800] =	vst v63  }
0x3e: {  	_ = 	snop  }
0x3f: {  	[spmem:s3] =	stream.indirect.scatter.add.f32 [tilespmem:s13], [sflag:$0x3], $0x80, s23, s12, $0xb8;
	[tilespmem:$0x1C800] =	vst v63  }
0x40: {  	_ =	swait.ge [sflag:s17], $0x3E80  }
0x41: {  	[sflag:s17] =	ssyncset.done $0x0  }
0x42: {  	[sflag:s17] =	ssyncadd.s32 $0xFFFFC180  }
0x43: {  	_ =	swait.ge [sflag:s18], $0x3E80  }
0x44: {  	[sflag:s18] =	ssyncset.done $0x0  }
0x45: {  	[sflag:s18] =	ssyncadd.s32 $0xFFFFC180  }
0x46: {  	[tilespmem:s13], [sflag:$0x1] =	stream.indirect.gather [hbm4b:s1+s12], $0x80, s24, s12, $0xb8;
	[tilespmem:$0x1C800] =	vst v63  }
0x47: {  	_ = 	snop  }
0x48: {  	[spmem:s3] =	stream.indirect.scatter.add.f32 [tilespmem:s16], [sflag:$0x4], $0x80, s25, s12, $0xb8;
	[tilespmem:$0x1C800] =	vst v63  }
0x49: {  	_ =	swait.ge [sflag:s14], $0x3E80  }
0x4a: {  	[sflag:s14] =	ssyncset.done $0x0  }
0x4b: {  	[sflag:s14] =	ssyncadd.s32 $0xFFFFC180  }
0x4c: {  	_ =	swait.ge [sflag:s21], $0x3E80  }
0x4d: {  	[sflag:s21] =	ssyncset.done $0x0  }
0x4e: {  	[sflag:s21] =	ssyncadd.s32 $0xFFFFC180  }
0x4f: {  	[tilespmem:s16], [sflag:$0x2] =	stream.indirect.gather [hbm4b:s1+s12], $0x80, s26, s12, $0xb8;
	[tilespmem:$0x1C800] =	vst v63  }
0x50: {  	_ = 	snop  }
0x51: {  	[spmem:s3] =	stream.indirect.scatter.add.f32 [tilespmem:s13], [sflag:$0x3], $0x80, s28, s12, $0xb8;
	[tilespmem:$0x1C800] =	vst v63  }
0x52: {  	_ =	swait.ge [sflag:s17], $0x3E80  }
0x53: {  	[sflag:s17] =	ssyncset.done $0x0  }
0x54: {  	[sflag:s17] =	ssyncadd.s32 $0xFFFFC180  }
0x55: {  	_ =	swait.ge [sflag:s18], $0x3E80  }
0x56: {  	[sflag:s18] =	ssyncset.done $0x0  }
0x57: {  	[sflag:s18] =	ssyncadd.s32 $0xFFFFC180  }
0x58: {  	[tilespmem:s13], [sflag:$0x1] =	stream.indirect.gather [hbm4b:s1+s12], $0x80, s29, s12, $0xb8;
	[tilespmem:$0x1C800] =	vst v63  }
0x59: {  	_ = 	snop  }
0x5a: {  	[spmem:s3] =	stream.indirect.scatter.add.f32 [tilespmem:s16], [sflag:$0x4], $0x80, s30, s12, $0xb8;
	[tilespmem:$0x1C800] =	vst v63  }
0x5b: {  	_ =	swait.ge [sflag:s14], $0x3E80  }
0x5c: {  	[sflag:s14] =	ssyncset.done $0x0  }
0x5d: {  	[sflag:s14] =	ssyncadd.s32 $0xFFFFC180  }
0x5e: {  	_ =	swait.ge [sflag:s21], $0x3E80  }
0x5f: {  	[sflag:s21] =	ssyncset.done $0x0  }
0x60: {  	[sflag:s21] =	ssyncadd.s32 $0xFFFFC180  }
0x61: {  	[tilespmem:s16], [sflag:$0x2] =	stream.indirect.gather [hbm4b:s1+s12], $0x80, s31, s12, $0xb8;
	[tilespmem:$0x1C800] =	vst v63  }
0x62: {  	_ = 	snop  }
0x63: {  	[spmem:s3] =	stream.indirect.scatter.add.f32 [tilespmem:s13], [sflag:$0x3], $0x80, s0, s12, $0xb8;
	[tilespmem:$0x1C800] =	vst v63  }
0x64: {  	_ =	swait.ge [sflag:s17], $0x3E80  }
0x65: {  	[sflag:s17] =	ssyncset.done $0x0  }
0x66: {  	[sflag:s17] =	ssyncadd.s32 $0xFFFFC180  }
0x67: {  	[spmem:s3] =	stream.indirect.scatter.add.f32 [tilespmem:s16], [sflag:$0x4], $0x80, s2, s12, $0xb8;
	[tilespmem:$0x1C800] =	vst v63  }
0x68: {  	_ =	swait.ge [sflag:s18], $0x3E80  }
0x69: {  	[sflag:s18] =	ssyncset.done $0x0  }
0x6a: {  	[sflag:s18] =	ssyncadd.s32 $0xFFFFC180  }
0x6b: {  	s7 =	simm.s32 $0x80;
	_ =	swait.ge [sflag:s21], $0x3E80  }
0x6c: {  	s8 =	simm.s32 $0x100;
	s6 =	rddreg [dreg:$0x4];
	[sflag:s21] =	ssyncset.done $0x0  }
.LBB2_2:
0x6d: {  	[sflag:s21] =	ssyncadd.s32 $0xFFFFC180;
	s6 =	sadd.s32 s7, s6  }
0x6e: {  	[tilespmem:s4], [sflag:$0x5] =	stream.linear.gather [hbm4b:s6+s4], $0x400, $0x38;
	[tilespmem:$0x1C800] =	vst v63  }
0x6f: {  	_ =	swait.ge [sflag:s10], $0x400  }
0x70: {  	[sflag:s10] =	ssyncset.done $0x0  }
0x71: {  	s6 =	sadd.s32 $0xA000, s6;
	[sflag:s10] =	ssyncadd.s32 $0xFFFFFC00  }
0x72: {  	[tilespmem:s11], [sflag:$0x5] =	stream.linear.gather [hbm4b:s6+s4], $0x400, $0x38;
	[tilespmem:$0x1C800] =	vst v63  }
0x73: {  	_ =	swait.ge [sflag:s10], $0x400  }
0x74: {  	[sflag:s10] =	ssyncset.done $0x0  }
0x75: {  	[sflag:s10] =	ssyncadd.s32 $0xFFFFFC00  }
0x76: {  	[tilespmem:s13], [sflag:$0x1] =	stream.indirect.gather [hbm4b:s1+s12], $0x80, s4, s12, $0xb8;
	[tilespmem:$0x1C800] =	vst v63  }
0x77: {  	_ =	swait.ge [sflag:s14], $0x3E80  }
0x78: {  	[sflag:s14] =	ssyncset.done $0x0  }
0x79: {  	[sflag:s14] =	ssyncadd.s32 $0xFFFFC180  }
0x7a: {  	[tilespmem:s16], [sflag:$0x2] =	stream.indirect.gather [hbm4b:s1+s12], $0x80, s15, s12, $0xb8;
	[tilespmem:$0x1C800] =	vst v63  }
0x7b: {  	_ = 	snop  }
0x7c: {  	[spmem:s3] =	stream.indirect.scatter.add.f32 [tilespmem:s13], [sflag:$0x3], $0x80, s11, s12, $0xb8;
	[tilespmem:$0x1C800] =	vst v63  }
0x7d: {  	_ =	swait.ge [sflag:s17], $0x3E80  }
0x7e: {  	[sflag:s17] =	ssyncset.done $0x0  }
0x7f: {  	[sflag:s17] =	ssyncadd.s32 $0xFFFFC180  }
0x80: {  	_ =	swait.ge [sflag:s18], $0x3E80  }
0x81: {  	[sflag:s18] =	ssyncset.done $0x0  }
0x82: {  	[sflag:s18] =	ssyncadd.s32 $0xFFFFC180  }
0x83: {  	[tilespmem:s13], [sflag:$0x1] =	stream.indirect.gather [hbm4b:s1+s12], $0x80, s19, s12, $0xb8;
	[tilespmem:$0x1C800] =	vst v63  }
0x84: {  	_ = 	snop  }
0x85: {  	[spmem:s3] =	stream.indirect.scatter.add.f32 [tilespmem:s16], [sflag:$0x4], $0x80, s20, s12, $0xb8;
	[tilespmem:$0x1C800] =	vst v63  }
0x86: {  	_ =	swait.ge [sflag:s14], $0x3E80  }
0x87: {  	[sflag:s14] =	ssyncset.done $0x0  }
0x88: {  	[sflag:s14] =	ssyncadd.s32 $0xFFFFC180  }
0x89: {  	_ =	swait.ge [sflag:s21], $0x3E80  }
0x8a: {  	[sflag:s21] =	ssyncset.done $0x0  }
0x8b: {  	[sflag:s21] =	ssyncadd.s32 $0xFFFFC180  }
0x8c: {  	[tilespmem:s16], [sflag:$0x2] =	stream.indirect.gather [hbm4b:s1+s12], $0x80, s22, s12, $0xb8;
	[tilespmem:$0x1C800] =	vst v63  }
0x8d: {  	_ = 	snop  }
0x8e: {  	[spmem:s3] =	stream.indirect.scatter.add.f32 [tilespmem:s13], [sflag:$0x3], $0x80, s23, s12, $0xb8;
	[tilespmem:$0x1C800] =	vst v63  }
0x8f: {  	_ =	swait.ge [sflag:s17], $0x3E80  }
0x90: {  	[sflag:s17] =	ssyncset.done $0x0  }
0x91: {  	[sflag:s17] =	ssyncadd.s32 $0xFFFFC180  }
0x92: {  	_ =	swait.ge [sflag:s18], $0x3E80  }
0x93: {  	[sflag:s18] =	ssyncset.done $0x0  }
0x94: {  	[sflag:s18] =	ssyncadd.s32 $0xFFFFC180  }
0x95: {  	[tilespmem:s13], [sflag:$0x1] =	stream.indirect.gather [hbm4b:s1+s12], $0x80, s24, s12, $0xb8;
	[tilespmem:$0x1C800] =	vst v63  }
0x96: {  	_ = 	snop  }
0x97: {  	[spmem:s3] =	stream.indirect.scatter.add.f32 [tilespmem:s16], [sflag:$0x4], $0x80, s25, s12, $0xb8;
	[tilespmem:$0x1C800] =	vst v63  }
0x98: {  	_ =	swait.ge [sflag:s14], $0x3E80  }
0x99: {  	[sflag:s14] =	ssyncset.done $0x0  }
0x9a: {  	[sflag:s14] =	ssyncadd.s32 $0xFFFFC180  }
0x9b: {  	_ =	swait.ge [sflag:s21], $0x3E80  }
0x9c: {  	[sflag:s21] =	ssyncset.done $0x0  }
0x9d: {  	[sflag:s21] =	ssyncadd.s32 $0xFFFFC180  }
0x9e: {  	[tilespmem:s16], [sflag:$0x2] =	stream.indirect.gather [hbm4b:s1+s12], $0x80, s26, s12, $0xb8;
	[tilespmem:$0x1C800] =	vst v63  }
0x9f: {  	_ = 	snop  }
0xa0: {  	[spmem:s3] =	stream.indirect.scatter.add.f32 [tilespmem:s13], [sflag:$0x3], $0x80, s28, s12, $0xb8;
	[tilespmem:$0x1C800] =	vst v63  }
0xa1: {  	_ =	swait.ge [sflag:s17], $0x3E80  }
0xa2: {  	[sflag:s17] =	ssyncset.done $0x0  }
0xa3: {  	[sflag:s17] =	ssyncadd.s32 $0xFFFFC180  }
0xa4: {  	_ =	swait.ge [sflag:s18], $0x3E80  }
0xa5: {  	[sflag:s18] =	ssyncset.done $0x0  }
0xa6: {  	[sflag:s18] =	ssyncadd.s32 $0xFFFFC180  }
0xa7: {  	[tilespmem:s13], [sflag:$0x1] =	stream.indirect.gather [hbm4b:s1+s12], $0x80, s29, s12, $0xb8;
	[tilespmem:$0x1C800] =	vst v63  }
0xa8: {  	_ = 	snop  }
0xa9: {  	[spmem:s3] =	stream.indirect.scatter.add.f32 [tilespmem:s16], [sflag:$0x4], $0x80, s30, s12, $0xb8;
	[tilespmem:$0x1C800] =	vst v63  }
0xaa: {  	_ =	swait.ge [sflag:s14], $0x3E80  }
0xab: {  	[sflag:s14] =	ssyncset.done $0x0  }
0xac: {  	[sflag:s14] =	ssyncadd.s32 $0xFFFFC180  }
0xad: {  	_ =	swait.ge [sflag:s21], $0x3E80  }
0xae: {  	[sflag:s21] =	ssyncset.done $0x0  }
0xaf: {  	[sflag:s21] =	ssyncadd.s32 $0xFFFFC180  }
0xb0: {  	[tilespmem:s16], [sflag:$0x2] =	stream.indirect.gather [hbm4b:s1+s12], $0x80, s31, s12, $0xb8;
	[tilespmem:$0x1C800] =	vst v63  }
0xb1: {  	_ = 	snop  }
0xb2: {  	[spmem:s3] =	stream.indirect.scatter.add.f32 [tilespmem:s13], [sflag:$0x3], $0x80, s0, s12, $0xb8;
	[tilespmem:$0x1C800] =	vst v63  }
0xb3: {  	_ =	swait.ge [sflag:s17], $0x3E80  }
0xb4: {  	[sflag:s17] =	ssyncset.done $0x0  }
0xb5: {  	p0 =	sne.s32 s8, $0x480;
	[sflag:s17] =	ssyncadd.s32 $0xFFFFC180  }
0xb6: {  	[spmem:s3] =	stream.indirect.scatter.add.f32 [tilespmem:s16], [sflag:$0x4], $0x80, s2, s12, $0xb8;
	[tilespmem:$0x1C800] =	vst v63  }
.Ltmp0:
0xb7: {  	_ =	swait.ge [sflag:s18], $0x3E80;
	(pc) =	sbr.rel @p0 .LBB2_2-.Ltmp0, $4  }
0xb8: {  	[sflag:s18] =	ssyncset.done $0x0  }
0xb9: {  	[sflag:s18] =	ssyncadd.s32 $0xFFFFC180  }
0xba: {  	s9 =	smov.u32 s8;
	s8 =	sadd.s32 $0x80, s8;
	_ =	swait.ge [sflag:s21], $0x3E80  }
0xbb: {  	s7 =	smov.u32 s9;
	s6 =	rddreg [dreg:$0x4];
	[sflag:s21] =	ssyncset.done $0x0  }
0xbc: {  	s6 =	sadd.s32 s7, s6;
	[sflag:s21] =	ssyncadd.s32 $0xFFFFC180  }
0xbd: {  	[tilespmem:s4], [sflag:$0x5] =	stream.linear.gather [hbm4b:s6+s4], $0x400, $0x38;
	[tilespmem:$0x1C800] =	vst v63  }
0xbe: {  	_ =	swait.ge [sflag:s10], $0x400  }
0xbf: {  	[sflag:s10] =	ssyncset.done $0x0  }
0xc0: {  	s6 =	sadd.s32 $0xA000, s6;
	[sflag:s10] =	ssyncadd.s32 $0xFFFFFC00  }
0xc1: {  	[tilespmem:s11], [sflag:$0x5] =	stream.linear.gather [hbm4b:s6+s4], $0x400, $0x38;
	[tilespmem:$0x1C800] =	vst v63  }
0xc2: {  	_ =	swait.ge [sflag:s10], $0x400  }
0xc3: {  	[sflag:s10] =	ssyncset.done $0x0  }
0xc4: {  	[sflag:s10] =	ssyncadd.s32 $0xFFFFFC00  }
0xc5: {  	[tilespmem:s13], [sflag:$0x1] =	stream.indirect.gather [hbm4b:s1+s12], $0x80, s4, s12, $0xb8;
	[tilespmem:$0x1C800] =	vst v63  }
0xc6: {  	_ =	swait.ge [sflag:s14], $0x3E80  }
0xc7: {  	[sflag:s14] =	ssyncset.done $0x0  }
0xc8: {  	[sflag:s14] =	ssyncadd.s32 $0xFFFFC180  }
0xc9: {  	[tilespmem:s16], [sflag:$0x2] =	stream.indirect.gather [hbm4b:s1+s12], $0x80, s15, s12, $0xb8;
	[tilespmem:$0x1C800] =	vst v63  }
0xca: {  	_ = 	snop  }
0xcb: {  	[spmem:s3] =	stream.indirect.scatter.add.f32 [tilespmem:s13], [sflag:$0x3], $0x80, s11, s12, $0xb8;
	[tilespmem:$0x1C800] =	vst v63  }
0xcc: {  	_ =	swait.ge [sflag:s17], $0x3E80  }
0xcd: {  	[sflag:s17] =	ssyncset.done $0x0  }
0xce: {  	[sflag:s17] =	ssyncadd.s32 $0xFFFFC180  }
0xcf: {  	_ =	swait.ge [sflag:s18], $0x3E80  }
0xd0: {  	[sflag:s18] =	ssyncset.done $0x0  }
0xd1: {  	[sflag:s18] =	ssyncadd.s32 $0xFFFFC180  }
0xd2: {  	[tilespmem:s13], [sflag:$0x1] =	stream.indirect.gather [hbm4b:s1+s12], $0x80, s19, s12, $0xb8;
	[tilespmem:$0x1C800] =	vst v63  }
0xd3: {  	_ = 	snop  }
0xd4: {  	[spmem:s3] =	stream.indirect.scatter.add.f32 [tilespmem:s16], [sflag:$0x4], $0x80, s20, s12, $0xb8;
	[tilespmem:$0x1C800] =	vst v63  }
0xd5: {  	_ =	swait.ge [sflag:s14], $0x3E80  }
0xd6: {  	[sflag:s14] =	ssyncset.done $0x0  }
0xd7: {  	[sflag:s14] =	ssyncadd.s32 $0xFFFFC180  }
0xd8: {  	_ =	swait.ge [sflag:s21], $0x3E80  }
0xd9: {  	[sflag:s21] =	ssyncset.done $0x0  }
0xda: {  	[sflag:s21] =	ssyncadd.s32 $0xFFFFC180  }
0xdb: {  	[tilespmem:s16], [sflag:$0x2] =	stream.indirect.gather [hbm4b:s1+s12], $0x80, s22, s12, $0xb8;
	[tilespmem:$0x1C800] =	vst v63  }
0xdc: {  	_ = 	snop  }
0xdd: {  	[spmem:s3] =	stream.indirect.scatter.add.f32 [tilespmem:s13], [sflag:$0x3], $0x80, s23, s12, $0xb8;
	[tilespmem:$0x1C800] =	vst v63  }
0xde: {  	_ =	swait.ge [sflag:s17], $0x3E80  }
0xdf: {  	[sflag:s17] =	ssyncset.done $0x0  }
0xe0: {  	[sflag:s17] =	ssyncadd.s32 $0xFFFFC180  }
0xe1: {  	_ =	swait.ge [sflag:s18], $0x3E80  }
0xe2: {  	[sflag:s18] =	ssyncset.done $0x0  }
0xe3: {  	[sflag:s18] =	ssyncadd.s32 $0xFFFFC180  }
0xe4: {  	[tilespmem:s13], [sflag:$0x1] =	stream.indirect.gather [hbm4b:s1+s12], $0x80, s24, s12, $0xb8;
	[tilespmem:$0x1C800] =	vst v63  }
0xe5: {  	_ = 	snop  }
0xe6: {  	[spmem:s3] =	stream.indirect.scatter.add.f32 [tilespmem:s16], [sflag:$0x4], $0x80, s25, s12, $0xb8;
	[tilespmem:$0x1C800] =	vst v63  }
0xe7: {  	_ =	swait.ge [sflag:s14], $0x3E80  }
0xe8: {  	[sflag:s14] =	ssyncset.done $0x0  }
0xe9: {  	[sflag:s14] =	ssyncadd.s32 $0xFFFFC180  }
0xea: {  	_ =	swait.ge [sflag:s21], $0x3E80  }
0xeb: {  	[sflag:s21] =	ssyncset.done $0x0  }
0xec: {  	[sflag:s21] =	ssyncadd.s32 $0xFFFFC180  }
0xed: {  	[tilespmem:s16], [sflag:$0x2] =	stream.indirect.gather [hbm4b:s1+s12], $0x80, s26, s12, $0xb8;
	[tilespmem:$0x1C800] =	vst v63  }
0xee: {  	_ = 	snop  }
0xef: {  	[spmem:s3] =	stream.indirect.scatter.add.f32 [tilespmem:s13], [sflag:$0x3], $0x80, s28, s12, $0xb8;
	[tilespmem:$0x1C800] =	vst v63  }
0xf0: {  	_ =	swait.ge [sflag:s17], $0x3E80  }
0xf1: {  	[sflag:s17] =	ssyncset.done $0x0  }
0xf2: {  	[sflag:s17] =	ssyncadd.s32 $0xFFFFC180  }
0xf3: {  	_ =	swait.ge [sflag:s18], $0x3E80  }
0xf4: {  	[sflag:s18] =	ssyncset.done $0x0  }
0xf5: {  	[sflag:s18] =	ssyncadd.s32 $0xFFFFC180  }
0xf6: {  	[tilespmem:s13], [sflag:$0x1] =	stream.indirect.gather [hbm4b:s1+s12], $0x80, s29, s12, $0xb8;
	[tilespmem:$0x1C800] =	vst v63  }
0xf7: {  	_ = 	snop  }
0xf8: {  	[spmem:s3] =	stream.indirect.scatter.add.f32 [tilespmem:s16], [sflag:$0x4], $0x80, s30, s12, $0xb8;
	[tilespmem:$0x1C800] =	vst v63  }
0xf9: {  	_ =	swait.ge [sflag:s14], $0x3E80  }
0xfa: {  	[sflag:s14] =	ssyncset.done $0x0  }
0xfb: {  	[sflag:s14] =	ssyncadd.s32 $0xFFFFC180  }
0xfc: {  	_ =	swait.ge [sflag:s21], $0x3E80  }
0xfd: {  	[sflag:s21] =	ssyncset.done $0x0  }
0xfe: {  	[sflag:s21] =	ssyncadd.s32 $0xFFFFC180  }
0xff: {  	[tilespmem:s16], [sflag:$0x2] =	stream.indirect.gather [hbm4b:s1+s12], $0x80, s31, s12, $0xb8;
	[tilespmem:$0x1C800] =	vst v63  }
0x100: {  	_ = 	snop  }
0x101: {  	[spmem:s3] =	stream.indirect.scatter.add.f32 [tilespmem:s13], [sflag:$0x3], $0x80, s0, s12, $0xb8;
	[tilespmem:$0x1C800] =	vst v63  }
0x102: {  	_ =	swait.ge [sflag:s17], $0x3E80  }
0x103: {  	[sflag:s17] =	ssyncset.done $0x0  }
0x104: {  	[sflag:s17] =	ssyncadd.s32 $0xFFFFC180  }
0x105: {  	[spmem:s3] =	stream.indirect.scatter.add.f32 [tilespmem:s16], [sflag:$0x4], $0x80, s2, s12, $0xb8;
	[tilespmem:$0x1C800] =	vst v63  }
0x106: {  	_ =	swait.ge [sflag:s18], $0x3E80  }
0x107: {  	[sflag:s18] =	ssyncset.done $0x0  }
0x108: {  	[sflag:s18] =	ssyncadd.s32 $0xFFFFC180  }
0x109: {  	_ =	swait.ge [sflag:s21], $0x3E80  }
0x10a: {  	[sflag:s21] =	ssyncset.done $0x0  }
0x10b: {  	[sflag:s21] =	ssyncadd.s32 $0xFFFFC180  }
0x10c: {  	[bflag:$0x0] =	sbarrier.arrive $0xFFFF  }
0x10d: {  	s7 =	rddreg [dreg:$0x6]  }
0x10e: {  	s9 =	rddreg [dreg:$0x7]  }
0x10f: {  	s8 =	rddreg [dreg:$0x9]  }
0x110: {  	[hbm:s9], [sflag:s7] =	dma.local [spmem:s8], $0x2800  }
0x111: {  	_ =	swait.ge [sflag:s10], $0x2800  }
0x112: {  	s5 =	sadd.s32 $0x1, s5;
	s9 =	rddreg [dreg:$0x8]  }
0x113: {  	p0 =	sne.s32 s5, s9  }
.Ltmp1:
0x114: {  	_ = 	snop;
	(pc) =	sbr.rel @p0 .LBB2_1-.Ltmp1, $3  }
0x115: {  	_ =	sdelay $0x1  }
0x116: {  	[sflag:s10] =	ssyncset.done $0x0  }
0x117: {  	[sflag:s10] =	ssyncadd.s32 $0xFFFFD800  }
0x118: {  	_ =	sfence.sel $0x180000  }
0x119: {  	[bflag:$0x0] =	sbarrier.arrive $0xFFFF  }
0x11a: {  	_ =	strace $0x9000004A  }
0x11b: {  	s0 =	stileid.u32;
	[bflag:$0x2] =	sbarrier.arrive $0xFFFF  }
0x11c: {  	p0 =	sne.s32 s0, $0x0;
	s0 =	rddreg [dreg:$0x3]  }
0x11d: {  	s0 =	sadd.s32 @!p0 $0x100000, s0  }
0x11e: {  	[sflag:s0] =	ssyncadd.tile.s32 @!p0 $0x1;
	_ =	shalt  }
.Lfunc_end2:
_tile_overlayer_lowered:
.L_overlay_start_2:
0x11f: {  	(tag) =	ssettag $0x2  }
0x120: {  	s0 =	rddreg [dreg:$0x0];
	s2 =	stileid.u32  }
0x121: {  	s1 =	rddreg [dreg:$0x1];
	p0 =	sne.s32 s2, $0x0  }
0x122: {  	s3 =	rddreg [dreg:$0x2];
	[bflag:$0x3] =	sbarrier.arrive $0xFFFF;
	s2 =	simm.s32 @!p0 $0x1C05  }
0x123: {  	[timem:s3], [sflag:s2] =	dma.local @!p0 [hbm:s0], s1  }
0x124: {  	s0 =	simm.s32 @!p0 $0x5  }
0x125: {  	_ =	swait.ge @!p0 [sflag:s0], s1  }
0x126: {  	s1 =	ssub.s32 @!p0 $0x0, s1;
	[sflag:s0] =	ssyncset.done @!p0 $0x0  }
0x127: {  	[sflag:s0] =	ssyncadd.s32 @!p0 s1  }
0x128: {  	[bflag:$0x3] =	sbarrier.arrive $0xFFFF  }
0x129: {  	_ =	shalt  }

// kernel: kernel.7.cloned.1.call-start
scs
__scs_entry_jumppad:
0x0: {  	(pc) =	sbr.rel $0x88, $3  }
0x1: {  	(tag) =	ssettag $0x0;
	lr =	simm.s32 $0x1  }
0x2: {  	[smem:$0x3F98] =	sst lr;
	_ =	strace $0xD0000000  }
0x3: {  	_ = 	snop  }
0x4: {  	_ = 	snop  }
0x5: {  	_ = 	snop  }
0x6: {  	_ = 	snop  }
0x7: {  	_ = 	snop  }
__scs_overlays_trampoline_lowered:
0x8: {  	[smem:$0x3FA7] =	sst s0  }
0x9: {  	[smem:$0x3FA8] =	sst s1  }
0xa: {  	[smem:$0x3FA9] =	sst s2  }
0xb: {  	[smem:$0x3FAA] =	sst s3  }
0xc: {  	[smem:$0x3FAB] =	sst s4  }
0xd: {  	[smem:$0x3FAC] =	sst s5  }
0xe: {  	[smem:$0x3FAD] =	sst s6  }
0xf: {  	[smem:$0x3FAE] =	sst s7  }
0x10: {  	[smem:$0x3FAF] =	sst s8  }
0x11: {  	[smem:$0x3FB0] =	sst s9;
	s0 =	simm.s32 @!p0 $0x0  }
0x12: {  	s1 =	sld [smem:$0x3F96];
	s0 =	simm.s32 @p0 $0x1  }
0x13: {  	[smem:$0x3FB1] =	sst s0;
	s0 =	simm.s32 @!p1 $0x0  }
0x14: {  	s2 =	sld [smem:$0x3F95];
	s0 =	simm.s32 @p1 $0x1  }
0x15: {  	[smem:$0x3FB2] =	sst s0;
	s0 =	simm.s32 @!p2 $0x0  }
0x16: {  	s3 =	sld [smem:$0x3FDB];
	s0 =	simm.s32 @p2 $0x1  }
0x17: {  	s4 =	simm.s32 $0x1BF5;
	[smem:$0x3FB4] =	sst s0  }
0x18: {  	s0 =	sld [smem:$0x3F97];
	_ =	swait.ge [sflag:s4], $0x0  }
0x19: {  	s7 =	sld [smem:$0x3F98]  }
0x1a: {  	s8 =	sadd.s32 $0xFFFFE003, lr  }
0x1b: {  	s9 =	sadd.s32 $0xFFFFFEF7, lr;
	s5 =	simm.s32 $0xFFFFFFFF;
	p2 =	slt.u32 s8, $0xFFFFF086  }
0x1c: {  	p1 =	slt.u32 s9, $0xF7A;
	s5 =	simm.s32 @!p2 $0x0  }
0x1d: {  	s5 =	simm.s32 @p1 $0x1;
	p0 =	seq.s32 s7, s2  }
0x1e: {  	s7 =	smul.u32 @!p0 $0xF7A, s2;
	p2 =	seq.s32 @!p0 s5, $0x0  }
0x1f: {  	s9 =	smul.u32 $0xF7A, s1;
	s8 =	simm.s32 @!p0 $0x1BF5;
	p2 =	por !p2, p0  }
0x20: {  	[sflag:s8] =	ssyncset.s32 @!p0 $0xFFFFF086;
	s6 =	sadd.s32 @!p0 s3, s7;
	s7 =	simm.s32 @!p0 $0x108  }
0x21: {  	s3 =	sadd.s32 s3, s9;
	s6 =	sadd.s32 @!p0 $0x88, s6;
	s7 =	simm.s32 @p2 $0x1082  }
0x22: {  	[simem:s7], [sflag:s8] =	dma.local @!p0 [hbm:s6], $0xF7A  }
0x23: {  	s9 =	sor.u32 $0xD0000000, s2;
	s6 =	simm.s32 $0x108;
	_ =	swait.ge @!p0 [sflag:s8], $0x0  }
0x24: {  	s3 =	sadd.s32 $0x88, s3;
	s6 =	simm.s32 @!p1 $0x1082;
	[sflag:s4] =	ssyncset.s32 $0xFFFFF086  }
0x25: {  	[simem:s6], [sflag:s4] =	dma.local [hbm:s3], $0xF7A  }
0x26: {  	[smem:$0x3F98] =	sst s1;
	(tag) =	ssettag s2;
	_ =	strace s9  }
0x27: {  	s1 =	sld [smem:$0x3FA8]  }
0x28: {  	s2 =	sld [smem:$0x3FA9]  }
0x29: {  	s4 =	sld [smem:$0x3FAB]  }
0x2a: {  	p0 =	seq.s32 s5, $0x0;
	s5 =	sld [smem:$0x3FAC]  }
0x2b: {  	s6 =	sld [smem:$0x3FAD]  }
0x2c: {  	s7 =	sld [smem:$0x3FAE]  }
0x2d: {  	s3 =	simm.s32 $0x108;
	s8 =	sld [smem:$0x3FAF]  }
0x2e: {  	s3 =	simm.s32 @!p0 $0x1082;
	s9 =	sld [smem:$0x3FB0]  }
0x2f: {  	lr =	sadd.s32 s0, s3;
	s0 =	sld [smem:$0x3FA7]  }
0x30: {  	s3 =	sld [smem:$0x3FAA]  }
0x31: {  	[smem:$0x3FB3] =	sst s10  }
0x32: {  	s10 =	sld [smem:$0x3FB1];
	_ =	sdelay $0x3  }
0x33: {  	p0 =	seq.s32 s10, $0x1;
	s10 =	sld [smem:$0x3FB3];
	_ =	sdelay $0x3  }
0x34: {  	[smem:$0x3FB3] =	sst s10  }
0x35: {  	s10 =	sld [smem:$0x3FB2];
	_ =	sdelay $0x3  }
0x36: {  	p1 =	seq.s32 s10, $0x1;
	s10 =	sld [smem:$0x3FB3];
	_ =	sdelay $0x3  }
0x37: {  	[smem:$0x3FB3] =	sst s10  }
0x38: {  	s10 =	sld [smem:$0x3FB4]  }
0x39: {  	_ = 	snop;
	(pc) =	sbr.ind lr, $3  }
0x3a: {  	_ = 	snop  }
0x3b: {  	_ = 	snop  }
0x3c: {  	p2 =	seq.s32 s10, $0x1;
	s10 =	sld [smem:$0x3FB3]  }
0x3d: {  	_ =	shalt  }
0x3e: {  	_ =	shalt  }
0x3f: {  	_ =	shalt  }
0x40: {  	_ =	shalt  }
0x41: {  	_ =	shalt  }
0x42: {  	_ =	shalt  }
0x43: {  	_ =	shalt  }
0x44: {  	_ =	shalt  }
0x45: {  	_ =	shalt  }
0x46: {  	_ =	shalt  }
0x47: {  	_ =	shalt  }
0x48: {  	_ =	shalt  }
0x49: {  	_ =	shalt  }
0x4a: {  	_ =	shalt  }
0x4b: {  	_ =	shalt  }
0x4c: {  	_ =	shalt  }
0x4d: {  	_ =	shalt  }
0x4e: {  	_ =	shalt  }
0x4f: {  	_ =	shalt  }
0x50: {  	_ =	shalt  }
0x51: {  	_ =	shalt  }
0x52: {  	_ =	shalt  }
0x53: {  	_ =	shalt  }
0x54: {  	_ =	shalt  }
0x55: {  	_ =	shalt  }
0x56: {  	_ =	shalt  }
0x57: {  	_ =	shalt  }
0x58: {  	_ =	shalt  }
0x59: {  	_ =	shalt  }
0x5a: {  	_ =	shalt  }
0x5b: {  	_ =	shalt  }
0x5c: {  	_ =	shalt  }
0x5d: {  	_ =	shalt  }
0x5e: {  	_ =	shalt  }
0x5f: {  	_ =	shalt  }
0x60: {  	_ =	shalt  }
0x61: {  	_ =	shalt  }
0x62: {  	_ =	shalt  }
0x63: {  	_ =	shalt  }
0x64: {  	_ =	shalt  }
0x65: {  	_ =	shalt  }
0x66: {  	_ =	shalt  }
0x67: {  	_ =	shalt  }
0x68: {  	_ =	shalt  }
0x69: {  	_ =	shalt  }
0x6a: {  	_ =	shalt  }
0x6b: {  	_ =	shalt  }
0x6c: {  	_ =	shalt  }
0x6d: {  	_ =	shalt  }
0x6e: {  	_ =	shalt  }
0x6f: {  	_ =	shalt  }
0x70: {  	_ =	shalt  }
0x71: {  	_ =	shalt  }
0x72: {  	_ =	shalt  }
0x73: {  	_ =	shalt  }
0x74: {  	_ =	shalt  }
0x75: {  	_ =	shalt  }
0x76: {  	_ =	shalt  }
0x77: {  	_ =	shalt  }
0x78: {  	_ =	shalt  }
0x79: {  	_ =	shalt  }
0x7a: {  	_ =	shalt  }
0x7b: {  	_ =	shalt  }
0x7c: {  	_ =	shalt  }
0x7d: {  	_ =	shalt  }
0x7e: {  	_ =	shalt  }
0x7f: {  	_ =	shalt  }
0x80: {  	_ =	shalt  }
0x81: {  	_ =	shalt  }
0x82: {  	_ =	shalt  }
0x83: {  	_ =	shalt  }
0x84: {  	_ =	shalt  }
0x85: {  	_ =	shalt  }
0x86: {  	_ =	shalt  }
0x87: {  	_ =	shalt  }
.Lfunc_end0:
.L_simem_size_0:
called_computation_lowered:
.L_overlay_start_0:
0x88: {  	s2 =	sld [smem:$0x3FD9]  }
0x89: {  	s3 =	sld [smem:$0x3FFE];
	_ =	sdelay $0x1  }
0x8a: {  	s1 =	srdreg.scid  }
0x8b: {  	s0 =	sand.u32 $0x1, s1  }
0x8c: {  	s17 =	sshll.u32 s0, $0xA;
	s2 =	sadd.s32 s3, s2  }
0x8d: {  	s2 =	sadd.s32 s2, s17  }
0x8e: {  	[smem:$0x3FBF] =	sst s2  }
0x8f: {  	_ = 	snop  }
0x90: {  	s2 =	sld [smem:$0x3FD0];
	(tm) =	ssettm $0x1  }
0x91: {  	s18 =	sld [smem:$0x3FFB];
	_ =	sdelay $0x3  }
0x92: {  	_ =	strace s18  }
0x93: {  	s3 =	sld [smem:$0x3FFC];
	_ =	sdelay $0x3  }
0x94: {  	_ =	strace s3  }
0x95: {  	s3 =	sld [smem:$0x3FFD];
	_ =	sdelay $0x3  }
0x96: {  	_ =	strace s3  }
0x97: {  	_ =	strace $0x8FFFFFFF  }
0x98: {  	s19 =	sld [smem:$0x3FDB];
	_ =	sdelay $0x1  }
0x99: {  	s4 =	simm.s32 $_scs_section_size  }
0x9a: {  	s5 =	simm.s32 $_size__tile_overlayer_lowered;
	s6 =	simm.s32 $_tile_overlayer_lowered  }
0x9b: {  	s22 =	simm.s32 $0x1BFF;
	s21 =	sshll.u32 s6, $0x1;
	s3 =	sadd.s32 s4, s19  }
0x9c: {  	s7 =	simm.s32 $0x0;
	s20 =	sshll.u32 s5, $0x1;
	s5 =	sadd.s32 s21, s3  }
0x9d: {  	[timem:s7], [sflag:s22] =	dma.local [hbm:s5], s20  }
0x9e: {  	_ =	swait.ge [sflag:s22], s20  }
0x9f: {  	s4 =	ssub.s32 $0x0, s20;
	[sflag:s22] =	ssyncset.done $0x0  }
0xa0: {  	[sflag:s22] =	ssyncadd.s32 s4;
	_ =	sdelay $0x1  }
0xa1: {  	s23 =	simm.s32 $0x1B8B  }
0xa2: {  	_ =	swait.ge [sflag:s23], $0x1  }
0xa3: {  	[sflag:s23] =	ssyncset.done $0x0  }
0xa4: {  	s25 =	simm.s32 $0x1B8E;
	s24 =	sld [smem:$0x3FFE];
	[sflag:s23] =	ssyncadd.s32 $0xFFFFFFFF  }
0xa5: {  	s26 =	simm.s32 $execute0_lowered;
	[smem:$0x3FD2] =	sst s25  }
0xa6: {  	s5 =	sshll.u32 s26, $0x1;
	_ =	strace $0x80000046;
	[dreg:$0x1] =	wrdreg $0xFFFFFFFF  }
0xa7: {  	s28 =	simm.s32 $_size_execute0_lowered;
	s3 =	sadd.s32 s3, s5;
	[dreg:$0x0] =	wrdreg $0x0  }
0xa8: {  	s5 =	sshll.u32 s28, $0x1;
	[dreg:$0x2] =	wrdreg s3  }
0xa9: {  	[dreg:$0x3] =	wrdreg s5  }
0xaa: {  	[dreg:$0x4] =	wrdreg $0xC0  }
0xab: {  	_ =	task [dreg:s7], $0x5FFFF  }
0xac: {  	[dreg:$0x1] =	wrdreg $0xFFFFFFFF  }
0xad: {  	[dreg:$0x0] =	wrdreg $0x60  }
0xae: {  	[dreg:$0x2] =	wrdreg s24  }
0xaf: {  	[dreg:$0x3] =	wrdreg s2  }
0xb0: {  	[dreg:$0x4] =	wrdreg $0x68000  }
0xb1: {  	[dreg:$0x5] =	wrdreg $0x9  }
0xb2: {  	_ =	task.clear_ibuf [dreg:s7], $0x6FFFF;
	_ =	strace $0x90000046  }
0xb3: {  	s29 =	simm.s32 $0x9;
	_ =	strace $0x80000048  }
0xb4: {  	_ =	swait.ge [sflag:s29], $0x1  }
0xb5: {  	[sflag:s29] =	ssyncadd.s32 $0xFFFFFFFF  }
0xb6: {  	_ =	strace $0x90000048  }
0xb7: {  	_ =	sfence  }
0xb8: {  	s30 =	sld [smem:$0x0];
	_ =	sdelay $0x2  }
0xb9: {  	s31 =	sshll.u32 s1, $0xD;
	s1 =	sshrl.u32 s1, $0x2  }
0xba: {  	s3 =	sand.u32 $0x4000, s31;
	s1 =	sadd.s32 s1, s30  }
0xbb: {  	s0 =	sor.u32 s3, s0;
	s1 =	sshll.u32 s1, $0x11  }
0xbc: {  	s0 =	sor.u32 s1, s0  }
0xbd: {  	s0 =	sadd.s32 $0x8F2B, s0  }
0xbe: {  	[sflag:s0] =	ssyncadd.remote.s32 $0x1  }
0xbf: {  	_ =	sfence.sel $0xFFFF  }
0xc0: {  	[dreg:$0x0] =	wrdreg $0xFFFFFFFF;
	(pc) =	sbr.abs _section_cstart, $3  }
0xc1: {  	[dreg:$0x1] =	wrdreg $0xFFFFFFFF  }
0xc2: {  	_ =	task.clear_ibuf [dreg:s7], $0x2FFFF;
	_ =	strace $0x9FFFFFFF  }
0xc3: {  	(tm) =	ssettm $0x7FFFFFFF  }
tec
execute0_lowered:
.L_overlay_start_1:
0x0: {  	(tag) =	ssettag $0x1  }
0x1: {  	s7 =	rddreg [dreg:$0x0]  }
0x2: {  	s2 =	rddreg [dreg:$0x1]  }
0x3: {  	s3 =	rddreg [dreg:$0x2]  }
0x4: {  	s0 =	rddreg [dreg:$0x3]  }
0x5: {  	s1 =	stileid.u32;
	s5 =	srdreg.scid;
	s4 =	simm.s32 $0x0  }
0x6: {  	s13 =	simm.s32 $0x7D;
	s14 =	simm.s32 $0x1;
	s6 =	smul.u32 $0x14000, s1  }
0x7: {  	s15 =	simm.s32 $0x0;
	s5 =	sand.u32 $0x1, s5;
	s10 =	smul.u32 $0x50000, s1  }
0x8: {  	[smem:$0x7FF] =	sst s4;
	s31 =	sshll.u32 s1, $0x6;
	s8 =	smul.u32 $0x140000, s5  }
0x9: {  	_ =	strace $0x80000047;
	s29 =	sshll.u32 s5, $0x4;
	s5 =	ssub.s32 $0x2, s5  }
0xa: {  	s9 =	sshrl.u32 s6, $0x3;
	s11 =	sshrl.u32 s5, $0x1;
	s30 =	sshrl.u32 s10, $0x2  }
0xb: {  	s9 =	sadd.s32 s9, s7;
	s6 =	sadd.s32 s6, s8;
	s8 =	sor.u32 s1, s29  }
0xc: {  	s11 =	ssub.s32 s5, s11;
	s10 =	sadd.s32 s30, s3;
	s8 =	smul.u32 $0x2800, s8  }
0xd: {  	s6 =	sshrl.u32 s6, $0x3;
	s5 =	sadd.s32 $0x16A00, s9;
	s9 =	smax.u32 s11, $0x1  }
0xe: {  	s10 =	sshrl.u32 s10, $0x3;
	s11 =	simm.s32 $0x2;
	s8 =	sshrl.u32 s8, $0x3  }
0xf: {  	s12 =	sadd.s32 s6, s7;
	s6 =	sor.u32 $0x1C02, s31;
	s7 =	sadd.s32 s7, s8  }
0x10: {  	s8 =	sadd.s32 $0x3EA00, s12;
	s12 =	simm.s32 $0x2800;
	s7 =	sadd.s32 $0xCA00, s7  }
.LBB2_1:
0x11: {  	[spmem:s10], [sflag:s6] =	dma.local [hbm:s5], $0x2800  }
0x12: {  	_ =	swait.ge [sflag:s11], $0x2800  }
0x13: {  	[sflag:s11] =	ssyncset.done $0x0  }
0x14: {  	[sflag:s11] =	ssyncadd.s32 $0xFFFFD800  }
0x15: {  	[tilespmem:s12], [sflag:$0x2] =	stream.linear.gather [hbm4b:s2+s4], $0x3E80, $0x38;
	[tilespmem:$0x1A800] =	vst v63  }
0x16: {  	_ =	swait.ge [sflag:s11], $0x3E80  }
0x17: {  	[sflag:s11] =	ssyncset.done $0x0  }
0x18: {  	[sflag:s11] =	ssyncadd.s32 $0xFFFFC180  }
0x19: {  	[tilespmem:s4], [sflag:$0x2] =	stream.linear.gather [hbm4b:s7+s4], $0x2800, $0x38;
	[tilespmem:$0x1A800] =	vst v63  }
0x1a: {  	_ =	swait.ge [sflag:s11], $0x2800  }
0x1b: {  	[sflag:s11] =	ssyncset.done $0x0  }
0x1c: {  	[sflag:s11] =	ssyncadd.s32 $0xFFFFD800  }
0x1d: {  	s16 =	simm.s32 $0x0;
	[bflag:$0x0] =	sbarrier.arrive $0xFFFF  }
0x1e: {  	[spmem:s3] =	stream.indirect.scatter.add.f32 [tilespmem:s12], [sflag:$0x1], $0x80, s16, s13, $0xb8;
	[tilespmem:$0x1A800] =	vst v63  }
0x1f: {  	s24 =	simm.s32 $0x80  }
0x20: {  	[spmem:s3] =	stream.indirect.scatter.add.f32 [tilespmem:s12], [sflag:$0x1], $0x80, s24, s13, $0xb8;
	[tilespmem:$0x1A800] =	vst v63  }
0x21: {  	s25 =	simm.s32 $0x100  }
0x22: {  	[spmem:s3] =	stream.indirect.scatter.add.f32 [tilespmem:s12], [sflag:$0x1], $0x80, s25, s13, $0xb8;
	[tilespmem:$0x1A800] =	vst v63  }
0x23: {  	s26 =	simm.s32 $0x180  }
0x24: {  	[spmem:s3] =	stream.indirect.scatter.add.f32 [tilespmem:s12], [sflag:$0x1], $0x80, s26, s13, $0xb8;
	[tilespmem:$0x1A800] =	vst v63  }
0x25: {  	s28 =	simm.s32 $0x200  }
0x26: {  	[spmem:s3] =	stream.indirect.scatter.add.f32 [tilespmem:s12], [sflag:$0x1], $0x80, s28, s13, $0xb8;
	[tilespmem:$0x1A800] =	vst v63  }
0x27: {  	s29 =	simm.s32 $0x280  }
0x28: {  	[spmem:s3] =	stream.indirect.scatter.add.f32 [tilespmem:s12], [sflag:$0x1], $0x80, s29, s13, $0xb8;
	[tilespmem:$0x1A800] =	vst v63  }
0x29: {  	s30 =	simm.s32 $0x300  }
0x2a: {  	[spmem:s3] =	stream.indirect.scatter.add.f32 [tilespmem:s12], [sflag:$0x1], $0x80, s30, s13, $0xb8;
	[tilespmem:$0x1A800] =	vst v63  }
0x2b: {  	s31 =	simm.s32 $0x380  }
0x2c: {  	[spmem:s3] =	stream.indirect.scatter.add.f32 [tilespmem:s12], [sflag:$0x1], $0x80, s31, s13, $0xb8;
	[tilespmem:$0x1A800] =	vst v63  }
0x2d: {  	_ =	swait.ge [sflag:s14], $0x3E80  }
0x2e: {  	[sflag:s14] =	ssyncset.done $0x0  }
0x2f: {  	[sflag:s14] =	ssyncadd.s32 $0xFFFFC180  }
0x30: {  	_ =	swait.ge [sflag:s14], $0x3E80  }
0x31: {  	[sflag:s14] =	ssyncset.done $0x0  }
0x32: {  	[sflag:s14] =	ssyncadd.s32 $0xFFFFC180  }
0x33: {  	_ =	swait.ge [sflag:s14], $0x3E80  }
0x34: {  	[sflag:s14] =	ssyncset.done $0x0  }
0x35: {  	[sflag:s14] =	ssyncadd.s32 $0xFFFFC180  }
0x36: {  	_ =	swait.ge [sflag:s14], $0x3E80  }
0x37: {  	[sflag:s14] =	ssyncset.done $0x0  }
0x38: {  	[sflag:s14] =	ssyncadd.s32 $0xFFFFC180  }
0x39: {  	_ =	swait.ge [sflag:s14], $0x3E80  }
0x3a: {  	[sflag:s14] =	ssyncset.done $0x0  }
0x3b: {  	[sflag:s14] =	ssyncadd.s32 $0xFFFFC180  }
0x3c: {  	_ =	swait.ge [sflag:s14], $0x3E80  }
0x3d: {  	[sflag:s14] =	ssyncset.done $0x0  }
0x3e: {  	[sflag:s14] =	ssyncadd.s32 $0xFFFFC180  }
0x3f: {  	_ =	swait.ge [sflag:s14], $0x3E80  }
0x40: {  	[sflag:s14] =	ssyncset.done $0x0  }
0x41: {  	[sflag:s14] =	ssyncadd.s32 $0xFFFFC180  }
0x42: {  	_ =	swait.ge [sflag:s14], $0x3E80  }
0x43: {  	s18 =	simm.s32 $0x2000;
	s16 =	simm.s32 $0x1000;
	[sflag:s14] =	ssyncset.done $0x0  }
.LBB2_2:
0x44: {  	s19 =	sshra.s32 s16, $0x2  }
0x45: {  	[sflag:s14] =	ssyncadd.s32 $0xFFFFC180;
	s16 =	smov.u32 s18;
	s17 =	sadd.s32 $0x1000, s18  }
0x46: {  	[spmem:s3] =	stream.indirect.scatter.add.f32 [tilespmem:s12], [sflag:$0x1], $0x80, s19, s13, $0xb8;
	[tilespmem:$0x1A800] =	vst v63  }
0x47: {  	p0 =	sne.s32 s18, $0x9000;
	s18 =	sadd.s32 $0x80, s19  }
0x48: {  	[spmem:s3] =	stream.indirect.scatter.add.f32 [tilespmem:s12], [sflag:$0x1], $0x80, s18, s13, $0xb8;
	[tilespmem:$0x1A800] =	vst v63  }
0x49: {  	s18 =	sadd.s32 $0x100, s19  }
0x4a: {  	[spmem:s3] =	stream.indirect.scatter.add.f32 [tilespmem:s12], [sflag:$0x1], $0x80, s18, s13, $0xb8;
	[tilespmem:$0x1A800] =	vst v63  }
0x4b: {  	s18 =	sadd.s32 $0x180, s19  }
0x4c: {  	[spmem:s3] =	stream.indirect.scatter.add.f32 [tilespmem:s12], [sflag:$0x1], $0x80, s18, s13, $0xb8;
	[tilespmem:$0x1A800] =	vst v63  }
0x4d: {  	s18 =	sadd.s32 $0x200, s19  }
0x4e: {  	[spmem:s3] =	stream.indirect.scatter.add.f32 [tilespmem:s12], [sflag:$0x1], $0x80, s18, s13, $0xb8;
	[tilespmem:$0x1A800] =	vst v63  }
0x4f: {  	s18 =	sadd.s32 $0x280, s19  }
0x50: {  	[spmem:s3] =	stream.indirect.scatter.add.f32 [tilespmem:s12], [sflag:$0x1], $0x80, s18, s13, $0xb8;
	[tilespmem:$0x1A800] =	vst v63  }
0x51: {  	s18 =	sadd.s32 $0x300, s19  }
0x52: {  	[spmem:s3] =	stream.indirect.scatter.add.f32 [tilespmem:s12], [sflag:$0x1], $0x80, s18, s13, $0xb8;
	[tilespmem:$0x1A800] =	vst v63  }
0x53: {  	s18 =	sadd.s32 $0x380, s19  }
0x54: {  	[spmem:s3] =	stream.indirect.scatter.add.f32 [tilespmem:s12], [sflag:$0x1], $0x80, s18, s13, $0xb8;
	[tilespmem:$0x1A800] =	vst v63  }
0x55: {  	_ =	swait.ge [sflag:s14], $0x3E80  }
0x56: {  	[sflag:s14] =	ssyncset.done $0x0  }
0x57: {  	[sflag:s14] =	ssyncadd.s32 $0xFFFFC180  }
0x58: {  	_ =	swait.ge [sflag:s14], $0x3E80  }
0x59: {  	[sflag:s14] =	ssyncset.done $0x0  }
0x5a: {  	[sflag:s14] =	ssyncadd.s32 $0xFFFFC180  }
0x5b: {  	_ =	swait.ge [sflag:s14], $0x3E80  }
0x5c: {  	[sflag:s14] =	ssyncset.done $0x0  }
0x5d: {  	[sflag:s14] =	ssyncadd.s32 $0xFFFFC180  }
0x5e: {  	_ =	swait.ge [sflag:s14], $0x3E80  }
0x5f: {  	[sflag:s14] =	ssyncset.done $0x0  }
0x60: {  	[sflag:s14] =	ssyncadd.s32 $0xFFFFC180  }
0x61: {  	_ =	swait.ge [sflag:s14], $0x3E80  }
0x62: {  	[sflag:s14] =	ssyncset.done $0x0  }
0x63: {  	[sflag:s14] =	ssyncadd.s32 $0xFFFFC180  }
0x64: {  	_ =	swait.ge [sflag:s14], $0x3E80  }
0x65: {  	[sflag:s14] =	ssyncset.done $0x0  }
0x66: {  	[sflag:s14] =	ssyncadd.s32 $0xFFFFC180  }
.Ltmp0:
0x67: {  	_ =	swait.ge [sflag:s14], $0x3E80;
	(pc) =	sbr.rel @p0 .LBB2_2-.Ltmp0, $4  }
0x68: {  	[sflag:s14] =	ssyncset.done $0x0  }
0x69: {  	[sflag:s14] =	ssyncadd.s32 $0xFFFFC180  }
0x6a: {  	_ =	swait.ge [sflag:s14], $0x3E80  }
0x6b: {  	s18 =	smov.u32 s17;
	[sflag:s14] =	ssyncset.done $0x0  }
0x6c: {  	s16 =	sshra.s32 s16, $0x2;
	[sflag:s14] =	ssyncadd.s32 $0xFFFFC180  }
0x6d: {  	[spmem:s3] =	stream.indirect.scatter.add.f32 [tilespmem:s12], [sflag:$0x1], $0x80, s16, s13, $0xb8;
	[tilespmem:$0x1A800] =	vst v63  }
0x6e: {  	s17 =	sadd.s32 $0x80, s16  }
0x6f: {  	[spmem:s3] =	stream.indirect.scatter.add.f32 [tilespmem:s12], [sflag:$0x1], $0x80, s17, s13, $0xb8;
	[tilespmem:$0x1A800] =	vst v63  }
0x70: {  	s26 =	sadd.s32 $0x100, s16  }
0x71: {  	[spmem:s3] =	stream.indirect.scatter.add.f32 [tilespmem:s12], [sflag:$0x1], $0x80, s26, s13, $0xb8;
	[tilespmem:$0x1A800] =	vst v63  }
0x72: {  	s28 =	sadd.s32 $0x180, s16  }
0x73: {  	[spmem:s3] =	stream.indirect.scatter.add.f32 [tilespmem:s12], [sflag:$0x1], $0x80, s28, s13, $0xb8;
	[tilespmem:$0x1A800] =	vst v63  }
0x74: {  	s29 =	sadd.s32 $0x200, s16  }
0x75: {  	[spmem:s3] =	stream.indirect.scatter.add.f32 [tilespmem:s12], [sflag:$0x1], $0x80, s29, s13, $0xb8;
	[tilespmem:$0x1A800] =	vst v63  }
0x76: {  	s30 =	sadd.s32 $0x280, s16  }
0x77: {  	[spmem:s3] =	stream.indirect.scatter.add.f32 [tilespmem:s12], [sflag:$0x1], $0x80, s30, s13, $0xb8;
	[tilespmem:$0x1A800] =	vst v63  }
0x78: {  	s31 =	sadd.s32 $0x300, s16  }
0x79: {  	[spmem:s3] =	stream.indirect.scatter.add.f32 [tilespmem:s12], [sflag:$0x1], $0x80, s31, s13, $0xb8;
	[tilespmem:$0x1A800] =	vst v63  }
0x7a: {  	s16 =	sadd.s32 $0x380, s16  }
0x7b: {  	[spmem:s3] =	stream.indirect.scatter.add.f32 [tilespmem:s12], [sflag:$0x1], $0x80, s16, s13, $0xb8;
	[tilespmem:$0x1A800] =	vst v63  }
0x7c: {  	_ =	swait.ge [sflag:s14], $0x3E80  }
0x7d: {  	[sflag:s14] =	ssyncset.done $0x0  }
0x7e: {  	[sflag:s14] =	ssyncadd.s32 $0xFFFFC180  }
0x7f: {  	_ =	swait.ge [sflag:s14], $0x3E80  }
0x80: {  	[sflag:s14] =	ssyncset.done $0x0  }
0x81: {  	[sflag:s14] =	ssyncadd.s32 $0xFFFFC180  }
0x82: {  	_ =	swait.ge [sflag:s14], $0x3E80  }
0x83: {  	[sflag:s14] =	ssyncset.done $0x0  }
0x84: {  	[sflag:s14] =	ssyncadd.s32 $0xFFFFC180  }
0x85: {  	_ =	swait.ge [sflag:s14], $0x3E80  }
0x86: {  	[sflag:s14] =	ssyncset.done $0x0  }
0x87: {  	[sflag:s14] =	ssyncadd.s32 $0xFFFFC180  }
0x88: {  	_ =	swait.ge [sflag:s14], $0x3E80  }
0x89: {  	[sflag:s14] =	ssyncset.done $0x0  }
0x8a: {  	[sflag:s14] =	ssyncadd.s32 $0xFFFFC180  }
0x8b: {  	_ =	swait.ge [sflag:s14], $0x3E80  }
0x8c: {  	[sflag:s14] =	ssyncset.done $0x0  }
0x8d: {  	[sflag:s14] =	ssyncadd.s32 $0xFFFFC180  }
0x8e: {  	_ =	swait.ge [sflag:s14], $0x3E80  }
0x8f: {  	[sflag:s14] =	ssyncset.done $0x0  }
0x90: {  	[sflag:s14] =	ssyncadd.s32 $0xFFFFC180  }
0x91: {  	_ =	swait.ge [sflag:s14], $0x3E80  }
0x92: {  	s15 =	sadd.s32 $0x1, s15;
	[sflag:s14] =	ssyncset.done $0x0  }
0x93: {  	p0 =	sne.s32 s15, s9;
	[sflag:s14] =	ssyncadd.s32 $0xFFFFC180  }
.Ltmp1:
0x94: {  	[bflag:$0x0] =	sbarrier.arrive $0xFFFF;
	(pc) =	sbr.rel @p0 .LBB2_1-.Ltmp1, $4  }
0x95: {  	[hbm:s8], [sflag:s6] =	dma.local [spmem:s10], $0x2800  }
0x96: {  	_ =	swait.ge [sflag:s11], $0x2800  }
0x97: {  	[sflag:s11] =	ssyncset.done $0x0  }
0x98: {  	[sflag:s11] =	ssyncadd.s32 $0xFFFFD800  }
0x99: {  	_ =	sfence.sel $0x180000  }
0x9a: {  	[bflag:$0x0] =	sbarrier.arrive $0xFFFF  }
0x9b: {  	p0 =	sne.s32 s1, $0x0;
	_ =	strace $0x90000047  }
0x9c: {  	s0 =	sadd.s32 @!p0 $0x100000, s0;
	[bflag:$0x2] =	sbarrier.arrive $0xFFFF  }
0x9d: {  	[sflag:s0] =	ssyncadd.tile.s32 @!p0 $0x1;
	_ =	shalt  }
.Lfunc_end2:
_tile_overlayer_lowered:
.L_overlay_start_2:
0x9e: {  	(tag) =	ssettag $0x2  }
0x9f: {  	s0 =	rddreg [dreg:$0x0];
	s2 =	stileid.u32  }
0xa0: {  	s1 =	rddreg [dreg:$0x1];
	p0 =	sne.s32 s2, $0x0  }
0xa1: {  	s3 =	rddreg [dreg:$0x2];
	[bflag:$0x3] =	sbarrier.arrive $0xFFFF;
	s2 =	simm.s32 @!p0 $0x1C02  }
0xa2: {  	[timem:s3], [sflag:s2] =	dma.local @!p0 [hbm:s0], s1  }
0xa3: {  	s0 =	simm.s32 @!p0 $0x2  }
0xa4: {  	_ =	swait.ge @!p0 [sflag:s0], s1  }
0xa5: {  	s1 =	ssub.s32 @!p0 $0x0, s1;
	[sflag:s0] =	ssyncset.done @!p0 $0x0  }
0xa6: {  	[sflag:s0] =	ssyncadd.s32 @!p0 s1  }
0xa7: {  	[bflag:$0x3] =	sbarrier.arrive $0xFFFF  }
0xa8: {  	_ =	shalt  }

</sc_bundles>
